<compile_context>
chip_gen: v7x
topology: tpu7x:2x2x1
jax: 0.10.2.dev20260603
libtpu: 0.0.44.dev20260713+nightly
codegen_flags: <defaults>
</compile_context>

<pallas_src>
import functools

import jax
import jax.numpy as jnp
from jax import lax
from jax.experimental import pallas as pl
from jax.experimental.pallas import tpu as pltpu
from jax.experimental.pallas import tpu_sc as plsc

_VOCAB = 10001
_EMB = 100
_NCLS = 2
_B = 4096
_L = 200

_VP = 10240
_BSLOT = 10232

_info = plsc.get_sparse_core_info()
_NC, _NS = _info.num_cores, _info.num_subcores
_NW = _NC * _NS
_ROWS = _B // _NW
_GROUPS = _ROWS // 16
_JUNROLL = 20


def _round_bf16_bits(u):
    return (u + 0x7FFF + ((u >> 16) & 1)) & jnp.uint32(0xFFFF0000)


def _p_body(tab_ref, w_ref, b_ref, p_ref):
    blk = _VP // 2
    w = w_ref[...] * (1.0 / _L)
    p = lax.dot_general(w, tab_ref[...], (((1,), (1,)), ((), ())),
                        preferred_element_type=jnp.float32)
    col = (lax.broadcasted_iota(jnp.int32, (_NCLS, blk), 1)
           + pl.program_id(0) * blk)
    p = jnp.where((col == 0) | (col >= _VOCAB), 0.0, p)
    p = jnp.where(col == _BSLOT, b_ref[...], p)
    u = lax.bitcast_convert_type(p, jnp.uint32)
    hi = _round_bf16_bits(u[0:1, :])
    lo = _round_bf16_bits(u[1:2, :]) >> 16
    p_ref[...] = lax.bitcast_convert_type(hi | lo, jnp.int32)


def _sc_body(xt_hbm, p_hbm, out_hbm, xbuf, pp, obuf, sem_x, sem_p):
    wid = lax.axis_index("s") * _NC + lax.axis_index("c")
    base = wid * _ROWS
    cp_x = pltpu.async_copy(xt_hbm.at[wid], xbuf, sem_x)
    cp_p = pltpu.async_copy(p_hbm.at[0], pp, sem_p)
    cp_x.wait()
    cp_p.wait()

    hi_mask = jnp.full((16,), -65536, jnp.int32)

    def unpack(pk):
        return (plsc.bitcast(pk & hi_mask, jnp.float32),
                plsc.bitcast(pk << 16, jnp.float32))

    def group(g, carry0):
        rloc = g * 16 + lax.iota(jnp.int32, 16)
        bv = plsc.load_gather(pp, [jnp.full((16,), _BSLOT, jnp.int32)])
        acc0, acc1 = unpack(bv)

        def chunk(jc, carry):
            a0, a1 = carry
            for k in range(_JUNROLL):
                j = jc * _JUNROLL + k
                xv = plsc.load_gather(xbuf, [jnp.full((16,), j, jnp.int32),
                                             rloc])
                h, l = unpack(plsc.load_gather(pp, [xv]))
                a0, a1 = a0 + h, a1 + l
            return a0, a1

        acc0, acc1 = lax.fori_loop(0, _L // _JUNROLL, chunk, (acc0, acc1))
        zv = jnp.zeros((16,), jnp.int32)
        plsc.store_scatter(obuf, [zv, rloc], acc0)
        plsc.store_scatter(obuf, [zv + 1, rloc], acc1)
        return carry0

    lax.fori_loop(0, _GROUPS, group, 0)
    pltpu.sync_copy(obuf, out_hbm.at[:, pl.ds(base, _ROWS)])


def kernel(x, table, W, b):
    p = pl.pallas_call(
        _p_body,
        grid=(2,),
        in_specs=[
            pl.BlockSpec((_VP // 2, _EMB), lambda i: (i, 0)),
            pl.BlockSpec((_NCLS, _EMB), lambda i: (0, 0)),
            pl.BlockSpec((_NCLS, 1), lambda i: (0, 0)),
        ],
        out_specs=pl.BlockSpec((1, _VP // 2), lambda i: (0, i)),
        out_shape=jax.ShapeDtypeStruct((1, _VP), jnp.int32),
    )(table, W, b.reshape(_NCLS, 1))

    xt = x.T.reshape(_L, _NW, _ROWS).transpose(1, 0, 2)

    mesh = plsc.VectorSubcoreMesh(core_axis_name="c", subcore_axis_name="s")
    sc = functools.partial(
        pl.kernel,
        mesh=mesh,
        out_type=jax.ShapeDtypeStruct((_NCLS, _B), jnp.float32),
        scratch_types=[
            pltpu.VMEM((_L, _ROWS), jnp.int32),
            pltpu.VMEM((_VP,), jnp.int32),
            pltpu.VMEM((_NCLS, _ROWS), jnp.float32),
            pltpu.SemaphoreType.DMA,
            pltpu.SemaphoreType.DMA,
        ],
        compiler_params=pltpu.CompilerParams(
            needs_layout_passes=False, use_tc_tiling_on_sc=False,
            disable_bounds_checks=True),
    )(_sc_body)
    return sc(xt, p).T

# --- scband reference (transcript-rebuilt; emitter-appended) ---
"""Pipeline reference for scband-word-averaging-linear-23991687316162 (READ-ONLY COPY).

The authoritative reference and input builder live on the scoring server;
editing this copy changes nothing except your own understanding.
"""

import jax, jax.numpy as jnp
import numpy as np

VOCAB = 10001
EMB = 100
NUM_CLASSES = 2
B = 4096
L = 200

def setup_inputs(seed: int = 0) -> dict:
    key = jax.random.key(seed)
    k1, k2, k3 = jax.random.split(key, 3)
    x = jax.random.randint(k1, (B, L), 0, VOCAB, dtype=jnp.int64 if jax.config.jax_enable_x64 else jnp.int32).astype(jnp.int32)
    lim = np.sqrt(6.0 / (VOCAB + EMB))
    table = jax.random.uniform(k2, (VOCAB, EMB), dtype=jnp.float32, minval=-lim, maxval=lim)
    table = table.at[0].set(0.0)  # padding_idx=0
    W = jax.random.normal(k3, (NUM_CLASSES, EMB), dtype=jnp.float32) * (1.0 / np.sqrt(EMB))
    b = jnp.zeros((NUM_CLASSES,), dtype=jnp.float32)
    return {"x": x, "table": table, "W": W, "b": b}

def reference(x, table, W, b):
    # padding row contributes zeros (and in torch receives no gradient)
    pad_mask = (jnp.arange(VOCAB) != 0).astype(table.dtype)[:, None]
    emb_table = table * pad_mask
    emb = jnp.take(emb_table, x, axis=0)        # [B, L, EMB] gather
    avg = emb.mean(axis=1)                       # [B, EMB]
    out = avg @ W.T + b                          # [B, NUM_CLASSES]
    return out

if __name__ == "__main__":
    import jax
    _d = setup_inputs()
    print(jax.jit(kernel)(*tuple(_d.values())))

</pallas_src>

<mosaic_0001>
#map = affine_map<(d0, d1) -> (0, 0, 0)>
#map1 = affine_map<(d0, d1) -> (0, 0)>
module attributes {stable_mosaic.version = 14 : i64} {
  func.func @_sc_body(%arg0: i32, %arg1: i32, %arg2: memref<32x200x128xi32, #tpu.memory_space<hbm>>, %arg3: memref<1x10240xi32, #tpu.memory_space<hbm>>, %arg4: memref<2x4096xf32, #tpu.memory_space<hbm>>, %arg5: memref<200x128xi32, #tpu.memory_space<vmem>>, %arg6: memref<10240xi32, #tpu.memory_space<vmem>>, %arg7: memref<2x128xf32, #tpu.memory_space<vmem>>, %arg8: memref<!tpu.dma_semaphore, #tpu.memory_space<semaphore_mem>>, %arg9: memref<!tpu.dma_semaphore, #tpu.memory_space<semaphore_mem>>) attributes {dimension_semantics = [#tpu.dimension_semantics<core_parallel>, #tpu.dimension_semantics<subcore_parallel>], iteration_bounds = array<i64: 2, 16>, scalar_prefetch = 0 : i64, scratch_operands = 5 : i64, tpu.core_type = #tpu.core_type<sc_vector_subcore>, window_params = [{transform_indices = #map}, {transform_indices = #map1}, {transform_indices = #map1}]} {
    %mul3A = arith.constant 2 : i32
    %mul3A_0 = arith.muli %arg1, %mul3A : i32
    %add3A = arith.addi %mul3A_0, %arg0 : i32
    %mul3A_1 = arith.constant 128 : i32
    %mul3A_2 = arith.muli %add3A, %mul3A_1 : i32
    %dma_start3A = arith.constant 0 : i32
    %dma_start3A_3 = arith.constant 0 : i32
    %dma_start3A_4 = tpu.memref_slice %arg2[%add3A, %dma_start3A, %dma_start3A_3] : memref<32x200x128xi32, #tpu.memory_space<hbm>> -> memref<1x200x128xi32, #tpu.memory_space<hbm>>
    %dma_start3A_5 = tpu.memref_squeeze %dma_start3A_4 : memref<1x200x128xi32, #tpu.memory_space<hbm>> -> memref<200x128xi32, #tpu.memory_space<hbm>>
    %dma_start3A_6 = arith.constant 0 : i32
    %dma_start3A_7 = arith.constant 0 : i32
    %dma_start3A_8 = tpu.memref_slice %arg2[%add3A, %dma_start3A_6, %dma_start3A_7] : memref<32x200x128xi32, #tpu.memory_space<hbm>> -> memref<1x200x128xi32, #tpu.memory_space<hbm>>
    %dma_start3A_9 = tpu.memref_squeeze %dma_start3A_8 : memref<1x200x128xi32, #tpu.memory_space<hbm>> -> memref<200x128xi32, #tpu.memory_space<hbm>>
    tpu.enqueue_dma source(%dma_start3A_9 : memref<200x128xi32, #tpu.memory_space<hbm>>) target(%arg5 : memref<200x128xi32, #tpu.memory_space<vmem>>) target_semaphore(%arg8 : memref<!tpu.dma_semaphore, #tpu.memory_space<semaphore_mem>>)
    %dma_start3A_10 = arith.constant 0 : i32
    %dma_start3A_11 = arith.constant 0 : i32
    %dma_start3A_12 = tpu.memref_slice %arg3[%dma_start3A_10, %dma_start3A_11] : memref<1x10240xi32, #tpu.memory_space<hbm>> -> memref<1x10240xi32, #tpu.memory_space<hbm>>
    %dma_start3A_13 = tpu.memref_squeeze %dma_start3A_12 : memref<1x10240xi32, #tpu.memory_space<hbm>> -> memref<10240xi32, #tpu.memory_space<hbm>>
    %dma_start3A_14 = arith.constant 0 : i32
    %dma_start3A_15 = tpu.memref_slice %arg3[%dma_start3A_10, %dma_start3A_14] : memref<1x10240xi32, #tpu.memory_space<hbm>> -> memref<1x10240xi32, #tpu.memory_space<hbm>>
    %dma_start3A_16 = tpu.memref_squeeze %dma_start3A_15 : memref<1x10240xi32, #tpu.memory_space<hbm>> -> memref<10240xi32, #tpu.memory_space<hbm>>
    tpu.enqueue_dma source(%dma_start3A_16 : memref<10240xi32, #tpu.memory_space<hbm>>) target(%arg6 : memref<10240xi32, #tpu.memory_space<vmem>>) target_semaphore(%arg9 : memref<!tpu.dma_semaphore, #tpu.memory_space<semaphore_mem>>)
    %dma_wait3A = arith.constant 0 : i32
    %dma_wait3A_17 = arith.constant 0 : i32
    %dma_wait3A_18 = tpu.memref_slice %arg2[%add3A, %dma_wait3A, %dma_wait3A_17] : memref<32x200x128xi32, #tpu.memory_space<hbm>> -> memref<1x200x128xi32, #tpu.memory_space<hbm>>
    %dma_wait3A_19 = tpu.memref_squeeze %dma_wait3A_18 : memref<1x200x128xi32, #tpu.memory_space<hbm>> -> memref<200x128xi32, #tpu.memory_space<hbm>>
    %dma_wait3A_20 = arith.constant 0 : i32
    %dma_wait3A_21 = arith.constant 0 : i32
    %dma_wait3A_22 = tpu.memref_slice %arg2[%add3A, %dma_wait3A_20, %dma_wait3A_21] : memref<32x200x128xi32, #tpu.memory_space<hbm>> -> memref<1x200x128xi32, #tpu.memory_space<hbm>>
    %dma_wait3A_23 = tpu.memref_squeeze %dma_wait3A_22 : memref<1x200x128xi32, #tpu.memory_space<hbm>> -> memref<200x128xi32, #tpu.memory_space<hbm>>
    tpu.wait_dma2 semaphore(%arg8 : memref<!tpu.dma_semaphore, #tpu.memory_space<semaphore_mem>>) src(%dma_wait3A_23 : memref<200x128xi32, #tpu.memory_space<hbm>>) dst(%arg5 : memref<200x128xi32, #tpu.memory_space<vmem>>)
    %dma_wait3A_24 = arith.constant 0 : i32
    %dma_wait3A_25 = arith.constant 0 : i32
    %dma_wait3A_26 = tpu.memref_slice %arg3[%dma_wait3A_24, %dma_wait3A_25] : memref<1x10240xi32, #tpu.memory_space<hbm>> -> memref<1x10240xi32, #tpu.memory_space<hbm>>
    %dma_wait3A_27 = tpu.memref_squeeze %dma_wait3A_26 : memref<1x10240xi32, #tpu.memory_space<hbm>> -> memref<10240xi32, #tpu.memory_space<hbm>>
    %dma_wait3A_28 = arith.constant 0 : i32
    %dma_wait3A_29 = tpu.memref_slice %arg3[%dma_wait3A_24, %dma_wait3A_28] : memref<1x10240xi32, #tpu.memory_space<hbm>> -> memref<1x10240xi32, #tpu.memory_space<hbm>>
    %dma_wait3A_30 = tpu.memref_squeeze %dma_wait3A_29 : memref<1x10240xi32, #tpu.memory_space<hbm>> -> memref<10240xi32, #tpu.memory_space<hbm>>
    tpu.wait_dma2 semaphore(%arg9 : memref<!tpu.dma_semaphore, #tpu.memory_space<semaphore_mem>>) src(%dma_wait3A_30 : memref<10240xi32, #tpu.memory_space<hbm>>) dst(%arg6 : memref<10240xi32, #tpu.memory_space<vmem>>)
    %broadcast_in_dim3A = arith.constant -65536 : i32
    %broadcast_in_dim3A_31 = vector.broadcast %broadcast_in_dim3A : i32 to vector<16xi32>
    %scan3A = arith.constant 0 : i32
    %scan3A_32 = arith.constant 0 : i32
    %scan3A_33 = arith.constant 8 : i32
    %scan3A_34 = arith.addi %scan3A_32, %scan3A_33 : i32
    %scan3A_35 = arith.constant 1 : i32
    scf.for %scan3A_37 = %scan3A_32 to %scan3A_34 step %scan3A_35  : i32 {
      %mul3A_38 = arith.constant 16 : i32
      %mul3A_39 = arith.muli %scan3A_37, %mul3A_38 : i32
      %iota3A = tpu.iota {dimensions = array<i32: 0>} : vector<16xi32>
      %add3A_40 = vector.broadcast %mul3A_39 : i32 to vector<16xi32>
      %add3A_41 = arith.addi %add3A_40, %iota3A : vector<16xi32>
      %broadcast_in_dim3A_42 = arith.constant 10232 : i32
      %broadcast_in_dim3A_43 = vector.broadcast %broadcast_in_dim3A_42 : i32 to vector<16xi32>
      %gather3A = tpu.vector_load_idx %arg6[%broadcast_in_dim3A_43] : memref<10240xi32, #tpu.memory_space<vmem>>[vector<16xi32>], vector<16xi32>,
      %and3A = arith.andi %gather3A, %broadcast_in_dim3A_31 : vector<16xi32>
      %bitcast3A = vector.bitcast %and3A : vector<16xi32> to vector<16xf32>
      %shift_left3A = arith.constant 16 : i32
      %shift_left3A_44 = vector.broadcast %shift_left3A : i32 to vector<16xi32>
      %shift_left3A_45 = arith.shli %gather3A, %shift_left3A_44 : vector<16xi32>
      %bitcast3A_46 = vector.bitcast %shift_left3A_45 : vector<16xi32> to vector<16xf32>
      %scan3A_47 = arith.constant 0 : i32
      %scan3A_48 = arith.constant 10 : i32
      %scan3A_49 = arith.addi %scan3A_47, %scan3A_48 : i32
      %scan3A_50 = arith.constant 1 : i32
      %scan3A_51:2 = scf.for %scan3A_58 = %scan3A_47 to %scan3A_49 step %scan3A_50 iter_args(%scan3A_59 = %bitcast3A, %scan3A_60 = %bitcast3A_46) -> (vector<16xf32>, vector<16xf32>)  : i32 {
        %mul3A_61 = arith.constant 20 : i32
        %mul3A_62 = arith.muli %scan3A_58, %mul3A_61 : i32
        %add3A_63 = arith.constant 0 : i32
        %add3A_64 = arith.addi %mul3A_62, %add3A_63 : i32
        %broadcast_in_dim3A_65 = vector.broadcast %add3A_64 : i32 to vector<16xi32>
        %gather3A_66 = tpu.vector_load_idx %arg5[%broadcast_in_dim3A_65, %add3A_41] : memref<200x128xi32, #tpu.memory_space<vmem>>[vector<16xi32>, vector<16xi32>], vector<16xi32>,
        %gather3A_67 = tpu.vector_load_idx %arg6[%gather3A_66] : memref<10240xi32, #tpu.memory_space<vmem>>[vector<16xi32>], vector<16xi32>,
        %and3A_68 = arith.andi %gather3A_67, %broadcast_in_dim3A_31 : vector<16xi32>
        %bitcast3A_69 = vector.bitcast %and3A_68 : vector<16xi32> to vector<16xf32>
        %shift_left3A_70 = arith.constant 16 : i32
        %shift_left3A_71 = vector.broadcast %shift_left3A_70 : i32 to vector<16xi32>
        %shift_left3A_72 = arith.shli %gather3A_67, %shift_left3A_71 : vector<16xi32>
        %bitcast3A_73 = vector.bitcast %shift_left3A_72 : vector<16xi32> to vector<16xf32>
        %add3A_74 = arith.addf %scan3A_59, %bitcast3A_69 : vector<16xf32>
        %add3A_75 = arith.addf %scan3A_60, %bitcast3A_73 : vector<16xf32>
        %mul3A_76 = arith.constant 20 : i32
        %mul3A_77 = arith.muli %scan3A_58, %mul3A_76 : i32
        %add3A_78 = arith.constant 1 : i32
        %add3A_79 = arith.addi %mul3A_77, %add3A_78 : i32
        %broadcast_in_dim3A_80 = vector.broadcast %add3A_79 : i32 to vector<16xi32>
        %gather3A_81 = tpu.vector_load_idx %arg5[%broadcast_in_dim3A_80, %add3A_41] : memref<200x128xi32, #tpu.memory_space<vmem>>[vector<16xi32>, vector<16xi32>], vector<16xi32>,
        %gather3A_82 = tpu.vector_load_idx %arg6[%gather3A_81] : memref<10240xi32, #tpu.memory_space<vmem>>[vector<16xi32>], vector<16xi32>,
        %and3A_83 = arith.andi %gather3A_82, %broadcast_in_dim3A_31 : vector<16xi32>
        %bitcast3A_84 = vector.bitcast %and3A_83 : vector<16xi32> to vector<16xf32>
        %shift_left3A_85 = arith.constant 16 : i32
        %shift_left3A_86 = vector.broadcast %shift_left3A_85 : i32 to vector<16xi32>
        %shift_left3A_87 = arith.shli %gather3A_82, %shift_left3A_86 : vector<16xi32>
        %bitcast3A_88 = vector.bitcast %shift_left3A_87 : vector<16xi32> to vector<16xf32>
        %add3A_89 = arith.addf %add3A_74, %bitcast3A_84 : vector<16xf32>
        %add3A_90 = arith.addf %add3A_75, %bitcast3A_88 : vector<16xf32>
        %mul3A_91 = arith.constant 20 : i32
        %mul3A_92 = arith.muli %scan3A_58, %mul3A_91 : i32
        %add3A_93 = arith.constant 2 : i32
        %add3A_94 = arith.addi %mul3A_92, %add3A_93 : i32
        %broadcast_in_dim3A_95 = vector.broadcast %add3A_94 : i32 to vector<16xi32>
        %gather3A_96 = tpu.vector_load_idx %arg5[%broadcast_in_dim3A_95, %add3A_41] : memref<200x128xi32, #tpu.memory_space<vmem>>[vector<16xi32>, vector<16xi32>], vector<16xi32>,
        %gather3A_97 = tpu.vector_load_idx %arg6[%gather3A_96] : memref<10240xi32, #tpu.memory_space<vmem>>[vector<16xi32>], vector<16xi32>,
        %and3A_98 = arith.andi %gather3A_97, %broadcast_in_dim3A_31 : vector<16xi32>
        %bitcast3A_99 = vector.bitcast %and3A_98 : vector<16xi32> to vector<16xf32>
        %shift_left3A_100 = arith.constant 16 : i32
        %shift_left3A_101 = vector.broadcast %shift_left3A_100 : i32 to vector<16xi32>
        %shift_left3A_102 = arith.shli %gather3A_97, %shift_left3A_101 : vector<16xi32>
        %bitcast3A_103 = vector.bitcast %shift_left3A_102 : vector<16xi32> to vector<16xf32>
        %add3A_104 = arith.addf %add3A_89, %bitcast3A_99 : vector<16xf32>
        %add3A_105 = arith.addf %add3A_90, %bitcast3A_103 : vector<16xf32>
        %mul3A_106 = arith.constant 20 : i32
        %mul3A_107 = arith.muli %scan3A_58, %mul3A_106 : i32
        %add3A_108 = arith.constant 3 : i32
        %add3A_109 = arith.addi %mul3A_107, %add3A_108 : i32
        %broadcast_in_dim3A_110 = vector.broadcast %add3A_109 : i32 to vector<16xi32>
        %gather3A_111 = tpu.vector_load_idx %arg5[%broadcast_in_dim3A_110, %add3A_41] : memref<200x128xi32, #tpu.memory_space<vmem>>[vector<16xi32>, vector<16xi32>], vector<16xi32>,
        %gather3A_112 = tpu.vector_load_idx %arg6[%gather3A_111] : memref<10240xi32, #tpu.memory_space<vmem>>[vector<16xi32>], vector<16xi32>,
        %and3A_113 = arith.andi %gather3A_112, %broadcast_in_dim3A_31 : vector<16xi32>
        %bitcast3A_114 = vector.bitcast %and3A_113 : vector<16xi32> to vector<16xf32>
        %shift_left3A_115 = arith.constant 16 : i32
        %shift_left3A_116 = vector.broadcast %shift_left3A_115 : i32 to vector<16xi32>
        %shift_left3A_117 = arith.shli %gather3A_112, %shift_left3A_116 : vector<16xi32>
        %bitcast3A_118 = vector.bitcast %shift_left3A_117 : vector<16xi32> to vector<16xf32>
        %add3A_119 = arith.addf %add3A_104, %bitcast3A_114 : vector<16xf32>
        %add3A_120 = arith.addf %add3A_105, %bitcast3A_118 : vector<16xf32>
        %mul3A_121 = arith.constant 20 : i32
        %mul3A_122 = arith.muli %scan3A_58, %mul3A_121 : i32
        %add3A_123 = arith.constant 4 : i32
        %add3A_124 = arith.addi %mul3A_122, %add3A_123 : i32
        %broadcast_in_dim3A_125 = vector.broadcast %add3A_124 : i32 to vector<16xi32>
        %gather3A_126 = tpu.vector_load_idx %arg5[%broadcast_in_dim3A_125, %add3A_41] : memref<200x128xi32, #tpu.memory_space<vmem>>[vector<16xi32>, vector<16xi32>], vector<16xi32>,
        %gather3A_127 = tpu.vector_load_idx %arg6[%gather3A_126] : memref<10240xi32, #tpu.memory_space<vmem>>[vector<16xi32>], vector<16xi32>,
        %and3A_128 = arith.andi %gather3A_127, %broadcast_in_dim3A_31 : vector<16xi32>
        %bitcast3A_129 = vector.bitcast %and3A_128 : vector<16xi32> to vector<16xf32>
        %shift_left3A_130 = arith.constant 16 : i32
        %shift_left3A_131 = vector.broadcast %shift_left3A_130 : i32 to vector<16xi32>
        %shift_left3A_132 = arith.shli %gather3A_127, %shift_left3A_131 : vector<16xi32>
        %bitcast3A_133 = vector.bitcast %shift_left3A_132 : vector<16xi32> to vector<16xf32>
        %add3A_134 = arith.addf %add3A_119, %bitcast3A_129 : vector<16xf32>
        %add3A_135 = arith.addf %add3A_120, %bitcast3A_133 : vector<16xf32>
        %mul3A_136 = arith.constant 20 : i32
        %mul3A_137 = arith.muli %scan3A_58, %mul3A_136 : i32
        %add3A_138 = arith.constant 5 : i32
        %add3A_139 = arith.addi %mul3A_137, %add3A_138 : i32
        %broadcast_in_dim3A_140 = vector.broadcast %add3A_139 : i32 to vector<16xi32>
        %gather3A_141 = tpu.vector_load_idx %arg5[%broadcast_in_dim3A_140, %add3A_41] : memref<200x128xi32, #tpu.memory_space<vmem>>[vector<16xi32>, vector<16xi32>], vector<16xi32>,
        %gather3A_142 = tpu.vector_load_idx %arg6[%gather3A_141] : memref<10240xi32, #tpu.memory_space<vmem>>[vector<16xi32>], vector<16xi32>,
        %and3A_143 = arith.andi %gather3A_142, %broadcast_in_dim3A_31 : vector<16xi32>
        %bitcast3A_144 = vector.bitcast %and3A_143 : vector<16xi32> to vector<16xf32>
        %shift_left3A_145 = arith.constant 16 : i32
        %shift_left3A_146 = vector.broadcast %shift_left3A_145 : i32 to vector<16xi32>
        %shift_left3A_147 = arith.shli %gather3A_142, %shift_left3A_146 : vector<16xi32>
        %bitcast3A_148 = vector.bitcast %shift_left3A_147 : vector<16xi32> to vector<16xf32>
        %add3A_149 = arith.addf %add3A_134, %bitcast3A_144 : vector<16xf32>
        %add3A_150 = arith.addf %add3A_135, %bitcast3A_148 : vector<16xf32>
        %mul3A_151 = arith.constant 20 : i32
        %mul3A_152 = arith.muli %scan3A_58, %mul3A_151 : i32
        %add3A_153 = arith.constant 6 : i32
        %add3A_154 = arith.addi %mul3A_152, %add3A_153 : i32
        %broadcast_in_dim3A_155 = vector.broadcast %add3A_154 : i32 to vector<16xi32>
        %gather3A_156 = tpu.vector_load_idx %arg5[%broadcast_in_dim3A_155, %add3A_41] : memref<200x128xi32, #tpu.memory_space<vmem>>[vector<16xi32>, vector<16xi32>], vector<16xi32>,
        %gather3A_157 = tpu.vector_load_idx %arg6[%gather3A_156] : memref<10240xi32, #tpu.memory_space<vmem>>[vector<16xi32>], vector<16xi32>,
        %and3A_158 = arith.andi %gather3A_157, %broadcast_in_dim3A_31 : vector<16xi32>
        %bitcast3A_159 = vector.bitcast %and3A_158 : vector<16xi32> to vector<16xf32>
        %shift_left3A_160 = arith.constant 16 : i32
        %shift_left3A_161 = vector.broadcast %shift_left3A_160 : i32 to vector<16xi32>
        %shift_left3A_162 = arith.shli %gather3A_157, %shift_left3A_161 : vector<16xi32>
        %bitcast3A_163 = vector.bitcast %shift_left3A_162 : vector<16xi32> to vector<16xf32>
        %add3A_164 = arith.addf %add3A_149, %bitcast3A_159 : vector<16xf32>
        %add3A_165 = arith.addf %add3A_150, %bitcast3A_163 : vector<16xf32>
        %mul3A_166 = arith.constant 20 : i32
        %mul3A_167 = arith.muli %scan3A_58, %mul3A_166 : i32
        %add3A_168 = arith.constant 7 : i32
        %add3A_169 = arith.addi %mul3A_167, %add3A_168 : i32
        %broadcast_in_dim3A_170 = vector.broadcast %add3A_169 : i32 to vector<16xi32>
        %gather3A_171 = tpu.vector_load_idx %arg5[%broadcast_in_dim3A_170, %add3A_41] : memref<200x128xi32, #tpu.memory_space<vmem>>[vector<16xi32>, vector<16xi32>], vector<16xi32>,
        %gather3A_172 = tpu.vector_load_idx %arg6[%gather3A_171] : memref<10240xi32, #tpu.memory_space<vmem>>[vector<16xi32>], vector<16xi32>,
        %and3A_173 = arith.andi %gather3A_172, %broadcast_in_dim3A_31 : vector<16xi32>
        %bitcast3A_174 = vector.bitcast %and3A_173 : vector<16xi32> to vector<16xf32>
        %shift_left3A_175 = arith.constant 16 : i32
        %shift_left3A_176 = vector.broadcast %shift_left3A_175 : i32 to vector<16xi32>
        %shift_left3A_177 = arith.shli %gather3A_172, %shift_left3A_176 : vector<16xi32>
        %bitcast3A_178 = vector.bitcast %shift_left3A_177 : vector<16xi32> to vector<16xf32>
        %add3A_179 = arith.addf %add3A_164, %bitcast3A_174 : vector<16xf32>
        %add3A_180 = arith.addf %add3A_165, %bitcast3A_178 : vector<16xf32>
        %mul3A_181 = arith.constant 20 : i32
        %mul3A_182 = arith.muli %scan3A_58, %mul3A_181 : i32
        %add3A_183 = arith.constant 8 : i32
        %add3A_184 = arith.addi %mul3A_182, %add3A_183 : i32
        %broadcast_in_dim3A_185 = vector.broadcast %add3A_184 : i32 to vector<16xi32>
        %gather3A_186 = tpu.vector_load_idx %arg5[%broadcast_in_dim3A_185, %add3A_41] : memref<200x128xi32, #tpu.memory_space<vmem>>[vector<16xi32>, vector<16xi32>], vector<16xi32>,
        %gather3A_187 = tpu.vector_load_idx %arg6[%gather3A_186] : memref<10240xi32, #tpu.memory_space<vmem>>[vector<16xi32>], vector<16xi32>,
        %and3A_188 = arith.andi %gather3A_187, %broadcast_in_dim3A_31 : vector<16xi32>
        %bitcast3A_189 = vector.bitcast %and3A_188 : vector<16xi32> to vector<16xf32>
        %shift_left3A_190 = arith.constant 16 : i32
        %shift_left3A_191 = vector.broadcast %shift_left3A_190 : i32 to vector<16xi32>
        %shift_left3A_192 = arith.shli %gather3A_187, %shift_left3A_191 : vector<16xi32>
        %bitcast3A_193 = vector.bitcast %shift_left3A_192 : vector<16xi32> to vector<16xf32>
        %add3A_194 = arith.addf %add3A_179, %bitcast3A_189 : vector<16xf32>
        %add3A_195 = arith.addf %add3A_180, %bitcast3A_193 : vector<16xf32>
        %mul3A_196 = arith.constant 20 : i32
        %mul3A_197 = arith.muli %scan3A_58, %mul3A_196 : i32
        %add3A_198 = arith.constant 9 : i32
        %add3A_199 = arith.addi %mul3A_197, %add3A_198 : i32
        %broadcast_in_dim3A_200 = vector.broadcast %add3A_199 : i32 to vector<16xi32>
        %gather3A_201 = tpu.vector_load_idx %arg5[%broadcast_in_dim3A_200, %add3A_41] : memref<200x128xi32, #tpu.memory_space<vmem>>[vector<16xi32>, vector<16xi32>], vector<16xi32>,
        %gather3A_202 = tpu.vector_load_idx %arg6[%gather3A_201] : memref<10240xi32, #tpu.memory_space<vmem>>[vector<16xi32>], vector<16xi32>,
        %and3A_203 = arith.andi %gather3A_202, %broadcast_in_dim3A_31 : vector<16xi32>
        %bitcast3A_204 = vector.bitcast %and3A_203 : vector<16xi32> to vector<16xf32>
        %shift_left3A_205 = arith.constant 16 : i32
        %shift_left3A_206 = vector.broadcast %shift_left3A_205 : i32 to vector<16xi32>
        %shift_left3A_207 = arith.shli %gather3A_202, %shift_left3A_206 : vector<16xi32>
        %bitcast3A_208 = vector.bitcast %shift_left3A_207 : vector<16xi32> to vector<16xf32>
        %add3A_209 = arith.addf %add3A_194, %bitcast3A_204 : vector<16xf32>
        %add3A_210 = arith.addf %add3A_195, %bitcast3A_208 : vector<16xf32>
        %mul3A_211 = arith.constant 20 : i32
        %mul3A_212 = arith.muli %scan3A_58, %mul3A_211 : i32
        %add3A_213 = arith.constant 10 : i32
        %add3A_214 = arith.addi %mul3A_212, %add3A_213 : i32
        %broadcast_in_dim3A_215 = vector.broadcast %add3A_214 : i32 to vector<16xi32>
        %gather3A_216 = tpu.vector_load_idx %arg5[%broadcast_in_dim3A_215, %add3A_41] : memref<200x128xi32, #tpu.memory_space<vmem>>[vector<16xi32>, vector<16xi32>], vector<16xi32>,
        %gather3A_217 = tpu.vector_load_idx %arg6[%gather3A_216] : memref<10240xi32, #tpu.memory_space<vmem>>[vector<16xi32>], vector<16xi32>,
        %and3A_218 = arith.andi %gather3A_217, %broadcast_in_dim3A_31 : vector<16xi32>
        %bitcast3A_219 = vector.bitcast %and3A_218 : vector<16xi32> to vector<16xf32>
        %shift_left3A_220 = arith.constant 16 : i32
        %shift_left3A_221 = vector.broadcast %shift_left3A_220 : i32 to vector<16xi32>
        %shift_left3A_222 = arith.shli %gather3A_217, %shift_left3A_221 : vector<16xi32>
        %bitcast3A_223 = vector.bitcast %shift_left3A_222 : vector<16xi32> to vector<16xf32>
        %add3A_224 = arith.addf %add3A_209, %bitcast3A_219 : vector<16xf32>
        %add3A_225 = arith.addf %add3A_210, %bitcast3A_223 : vector<16xf32>
        %mul3A_226 = arith.constant 20 : i32
        %mul3A_227 = arith.muli %scan3A_58, %mul3A_226 : i32
        %add3A_228 = arith.constant 11 : i32
        %add3A_229 = arith.addi %mul3A_227, %add3A_228 : i32
        %broadcast_in_dim3A_230 = vector.broadcast %add3A_229 : i32 to vector<16xi32>
        %gather3A_231 = tpu.vector_load_idx %arg5[%broadcast_in_dim3A_230, %add3A_41] : memref<200x128xi32, #tpu.memory_space<vmem>>[vector<16xi32>, vector<16xi32>], vector<16xi32>,
        %gather3A_232 = tpu.vector_load_idx %arg6[%gather3A_231] : memref<10240xi32, #tpu.memory_space<vmem>>[vector<16xi32>], vector<16xi32>,
        %and3A_233 = arith.andi %gather3A_232, %broadcast_in_dim3A_31 : vector<16xi32>
        %bitcast3A_234 = vector.bitcast %and3A_233 : vector<16xi32> to vector<16xf32>
        %shift_left3A_235 = arith.constant 16 : i32
        %shift_left3A_236 = vector.broadcast %shift_left3A_235 : i32 to vector<16xi32>
        %shift_left3A_237 = arith.shli %gather3A_232, %shift_left3A_236 : vector<16xi32>
        %bitcast3A_238 = vector.bitcast %shift_left3A_237 : vector<16xi32> to vector<16xf32>
        %add3A_239 = arith.addf %add3A_224, %bitcast3A_234 : vector<16xf32>
        %add3A_240 = arith.addf %add3A_225, %bitcast3A_238 : vector<16xf32>
        %mul3A_241 = arith.constant 20 : i32
        %mul3A_242 = arith.muli %scan3A_58, %mul3A_241 : i32
        %add3A_243 = arith.constant 12 : i32
        %add3A_244 = arith.addi %mul3A_242, %add3A_243 : i32
        %broadcast_in_dim3A_245 = vector.broadcast %add3A_244 : i32 to vector<16xi32>
        %gather3A_246 = tpu.vector_load_idx %arg5[%broadcast_in_dim3A_245, %add3A_41] : memref<200x128xi32, #tpu.memory_space<vmem>>[vector<16xi32>, vector<16xi32>], vector<16xi32>,
        %gather3A_247 = tpu.vector_load_idx %arg6[%gather3A_246] : memref<10240xi32, #tpu.memory_space<vmem>>[vector<16xi32>], vector<16xi32>,
        %and3A_248 = arith.andi %gather3A_247, %broadcast_in_dim3A_31 : vector<16xi32>
        %bitcast3A_249 = vector.bitcast %and3A_248 : vector<16xi32> to vector<16xf32>
        %shift_left3A_250 = arith.constant 16 : i32
        %shift_left3A_251 = vector.broadcast %shift_left3A_250 : i32 to vector<16xi32>
        %shift_left3A_252 = arith.shli %gather3A_247, %shift_left3A_251 : vector<16xi32>
        %bitcast3A_253 = vector.bitcast %shift_left3A_252 : vector<16xi32> to vector<16xf32>
        %add3A_254 = arith.addf %add3A_239, %bitcast3A_249 : vector<16xf32>
        %add3A_255 = arith.addf %add3A_240, %bitcast3A_253 : vector<16xf32>
        %mul3A_256 = arith.constant 20 : i32
        %mul3A_257 = arith.muli %scan3A_58, %mul3A_256 : i32
        %add3A_258 = arith.constant 13 : i32
        %add3A_259 = arith.addi %mul3A_257, %add3A_258 : i32
        %broadcast_in_dim3A_260 = vector.broadcast %add3A_259 : i32 to vector<16xi32>
        %gather3A_261 = tpu.vector_load_idx %arg5[%broadcast_in_dim3A_260, %add3A_41] : memref<200x128xi32, #tpu.memory_space<vmem>>[vector<16xi32>, vector<16xi32>], vector<16xi32>,
        %gather3A_262 = tpu.vector_load_idx %arg6[%gather3A_261] : memref<10240xi32, #tpu.memory_space<vmem>>[vector<16xi32>], vector<16xi32>,
        %and3A_263 = arith.andi %gather3A_262, %broadcast_in_dim3A_31 : vector<16xi32>
        %bitcast3A_264 = vector.bitcast %and3A_263 : vector<16xi32> to vector<16xf32>
        %shift_left3A_265 = arith.constant 16 : i32
        %shift_left3A_266 = vector.broadcast %shift_left3A_265 : i32 to vector<16xi32>
        %shift_left3A_267 = arith.shli %gather3A_262, %shift_left3A_266 : vector<16xi32>
        %bitcast3A_268 = vector.bitcast %shift_left3A_267 : vector<16xi32> to vector<16xf32>
        %add3A_269 = arith.addf %add3A_254, %bitcast3A_264 : vector<16xf32>
        %add3A_270 = arith.addf %add3A_255, %bitcast3A_268 : vector<16xf32>
        %mul3A_271 = arith.constant 20 : i32
        %mul3A_272 = arith.muli %scan3A_58, %mul3A_271 : i32
        %add3A_273 = arith.constant 14 : i32
        %add3A_274 = arith.addi %mul3A_272, %add3A_273 : i32
        %broadcast_in_dim3A_275 = vector.broadcast %add3A_274 : i32 to vector<16xi32>
        %gather3A_276 = tpu.vector_load_idx %arg5[%broadcast_in_dim3A_275, %add3A_41] : memref<200x128xi32, #tpu.memory_space<vmem>>[vector<16xi32>, vector<16xi32>], vector<16xi32>,
        %gather3A_277 = tpu.vector_load_idx %arg6[%gather3A_276] : memref<10240xi32, #tpu.memory_space<vmem>>[vector<16xi32>], vector<16xi32>,
        %and3A_278 = arith.andi %gather3A_277, %broadcast_in_dim3A_31 : vector<16xi32>
        %bitcast3A_279 = vector.bitcast %and3A_278 : vector<16xi32> to vector<16xf32>
        %shift_left3A_280 = arith.constant 16 : i32
        %shift_left3A_281 = vector.broadcast %shift_left3A_280 : i32 to vector<16xi32>
        %shift_left3A_282 = arith.shli %gather3A_277, %shift_left3A_281 : vector<16xi32>
        %bitcast3A_283 = vector.bitcast %shift_left3A_282 : vector<16xi32> to vector<16xf32>
        %add3A_284 = arith.addf %add3A_269, %bitcast3A_279 : vector<16xf32>
        %add3A_285 = arith.addf %add3A_270, %bitcast3A_283 : vector<16xf32>
        %mul3A_286 = arith.constant 20 : i32
        %mul3A_287 = arith.muli %scan3A_58, %mul3A_286 : i32
        %add3A_288 = arith.constant 15 : i32
        %add3A_289 = arith.addi %mul3A_287, %add3A_288 : i32
        %broadcast_in_dim3A_290 = vector.broadcast %add3A_289 : i32 to vector<16xi32>
        %gather3A_291 = tpu.vector_load_idx %arg5[%broadcast_in_dim3A_290, %add3A_41] : memref<200x128xi32, #tpu.memory_space<vmem>>[vector<16xi32>, vector<16xi32>], vector<16xi32>,
        %gather3A_292 = tpu.vector_load_idx %arg6[%gather3A_291] : memref<10240xi32, #tpu.memory_space<vmem>>[vector<16xi32>], vector<16xi32>,
        %and3A_293 = arith.andi %gather3A_292, %broadcast_in_dim3A_31 : vector<16xi32>
        %bitcast3A_294 = vector.bitcast %and3A_293 : vector<16xi32> to vector<16xf32>
        %shift_left3A_295 = arith.constant 16 : i32
        %shift_left3A_296 = vector.broadcast %shift_left3A_295 : i32 to vector<16xi32>
        %shift_left3A_297 = arith.shli %gather3A_292, %shift_left3A_296 : vector<16xi32>
        %bitcast3A_298 = vector.bitcast %shift_left3A_297 : vector<16xi32> to vector<16xf32>
        %add3A_299 = arith.addf %add3A_284, %bitcast3A_294 : vector<16xf32>
        %add3A_300 = arith.addf %add3A_285, %bitcast3A_298 : vector<16xf32>
        %mul3A_301 = arith.constant 20 : i32
        %mul3A_302 = arith.muli %scan3A_58, %mul3A_301 : i32
        %add3A_303 = arith.constant 16 : i32
        %add3A_304 = arith.addi %mul3A_302, %add3A_303 : i32
        %broadcast_in_dim3A_305 = vector.broadcast %add3A_304 : i32 to vector<16xi32>
        %gather3A_306 = tpu.vector_load_idx %arg5[%broadcast_in_dim3A_305, %add3A_41] : memref<200x128xi32, #tpu.memory_space<vmem>>[vector<16xi32>, vector<16xi32>], vector<16xi32>,
        %gather3A_307 = tpu.vector_load_idx %arg6[%gather3A_306] : memref<10240xi32, #tpu.memory_space<vmem>>[vector<16xi32>], vector<16xi32>,
        %and3A_308 = arith.andi %gather3A_307, %broadcast_in_dim3A_31 : vector<16xi32>
        %bitcast3A_309 = vector.bitcast %and3A_308 : vector<16xi32> to vector<16xf32>
        %shift_left3A_310 = arith.constant 16 : i32
        %shift_left3A_311 = vector.broadcast %shift_left3A_310 : i32 to vector<16xi32>
        %shift_left3A_312 = arith.shli %gather3A_307, %shift_left3A_311 : vector<16xi32>
        %bitcast3A_313 = vector.bitcast %shift_left3A_312 : vector<16xi32> to vector<16xf32>
        %add3A_314 = arith.addf %add3A_299, %bitcast3A_309 : vector<16xf32>
        %add3A_315 = arith.addf %add3A_300, %bitcast3A_313 : vector<16xf32>
        %mul3A_316 = arith.constant 20 : i32
        %mul3A_317 = arith.muli %scan3A_58, %mul3A_316 : i32
        %add3A_318 = arith.constant 17 : i32
        %add3A_319 = arith.addi %mul3A_317, %add3A_318 : i32
        %broadcast_in_dim3A_320 = vector.broadcast %add3A_319 : i32 to vector<16xi32>
        %gather3A_321 = tpu.vector_load_idx %arg5[%broadcast_in_dim3A_320, %add3A_41] : memref<200x128xi32, #tpu.memory_space<vmem>>[vector<16xi32>, vector<16xi32>], vector<16xi32>,
        %gather3A_322 = tpu.vector_load_idx %arg6[%gather3A_321] : memref<10240xi32, #tpu.memory_space<vmem>>[vector<16xi32>], vector<16xi32>,
        %and3A_323 = arith.andi %gather3A_322, %broadcast_in_dim3A_31 : vector<16xi32>
        %bitcast3A_324 = vector.bitcast %and3A_323 : vector<16xi32> to vector<16xf32>
        %shift_left3A_325 = arith.constant 16 : i32
        %shift_left3A_326 = vector.broadcast %shift_left3A_325 : i32 to vector<16xi32>
        %shift_left3A_327 = arith.shli %gather3A_322, %shift_left3A_326 : vector<16xi32>
        %bitcast3A_328 = vector.bitcast %shift_left3A_327 : vector<16xi32> to vector<16xf32>
        %add3A_329 = arith.addf %add3A_314, %bitcast3A_324 : vector<16xf32>
        %add3A_330 = arith.addf %add3A_315, %bitcast3A_328 : vector<16xf32>
        %mul3A_331 = arith.constant 20 : i32
        %mul3A_332 = arith.muli %scan3A_58, %mul3A_331 : i32
        %add3A_333 = arith.constant 18 : i32
        %add3A_334 = arith.addi %mul3A_332, %add3A_333 : i32
        %broadcast_in_dim3A_335 = vector.broadcast %add3A_334 : i32 to vector<16xi32>
        %gather3A_336 = tpu.vector_load_idx %arg5[%broadcast_in_dim3A_335, %add3A_41] : memref<200x128xi32, #tpu.memory_space<vmem>>[vector<16xi32>, vector<16xi32>], vector<16xi32>,
        %gather3A_337 = tpu.vector_load_idx %arg6[%gather3A_336] : memref<10240xi32, #tpu.memory_space<vmem>>[vector<16xi32>], vector<16xi32>,
        %and3A_338 = arith.andi %gather3A_337, %broadcast_in_dim3A_31 : vector<16xi32>
        %bitcast3A_339 = vector.bitcast %and3A_338 : vector<16xi32> to vector<16xf32>
        %shift_left3A_340 = arith.constant 16 : i32
        %shift_left3A_341 = vector.broadcast %shift_left3A_340 : i32 to vector<16xi32>
        %shift_left3A_342 = arith.shli %gather3A_337, %shift_left3A_341 : vector<16xi32>
        %bitcast3A_343 = vector.bitcast %shift_left3A_342 : vector<16xi32> to vector<16xf32>
        %add3A_344 = arith.addf %add3A_329, %bitcast3A_339 : vector<16xf32>
        %add3A_345 = arith.addf %add3A_330, %bitcast3A_343 : vector<16xf32>
        %mul3A_346 = arith.constant 20 : i32
        %mul3A_347 = arith.muli %scan3A_58, %mul3A_346 : i32
        %add3A_348 = arith.constant 19 : i32
        %add3A_349 = arith.addi %mul3A_347, %add3A_348 : i32
        %broadcast_in_dim3A_350 = vector.broadcast %add3A_349 : i32 to vector<16xi32>
        %gather3A_351 = tpu.vector_load_idx %arg5[%broadcast_in_dim3A_350, %add3A_41] : memref<200x128xi32, #tpu.memory_space<vmem>>[vector<16xi32>, vector<16xi32>], vector<16xi32>,
        %gather3A_352 = tpu.vector_load_idx %arg6[%gather3A_351] : memref<10240xi32, #tpu.memory_space<vmem>>[vector<16xi32>], vector<16xi32>,
        %and3A_353 = arith.andi %gather3A_352, %broadcast_in_dim3A_31 : vector<16xi32>
        %bitcast3A_354 = vector.bitcast %and3A_353 : vector<16xi32> to vector<16xf32>
        %shift_left3A_355 = arith.constant 16 : i32
        %shift_left3A_356 = vector.broadcast %shift_left3A_355 : i32 to vector<16xi32>
        %shift_left3A_357 = arith.shli %gather3A_352, %shift_left3A_356 : vector<16xi32>
        %bitcast3A_358 = vector.bitcast %shift_left3A_357 : vector<16xi32> to vector<16xf32>
        %add3A_359 = arith.addf %add3A_344, %bitcast3A_354 : vector<16xf32>
        %add3A_360 = arith.addf %add3A_345, %bitcast3A_358 : vector<16xf32>
        scf.yield %add3A_359, %add3A_360 : vector<16xf32>, vector<16xf32>
      }
      %scan3A_52 = arith.constant 10 : i32
      %broadcast_in_dim3A_53 = arith.constant 0 : i32
      %broadcast_in_dim3A_54 = vector.broadcast %broadcast_in_dim3A_53 : i32 to vector<16xi32>
      tpu.vector_store_idx %arg7[%broadcast_in_dim3A_54, %add3A_41], %scan3A_51#0 : memref<2x128xf32, #tpu.memory_space<vmem>>[vector<16xi32>, vector<16xi32>], vector<16xf32>,
      %add3A_55 = arith.constant 1 : i32
      %add3A_56 = vector.broadcast %add3A_55 : i32 to vector<16xi32>
      %add3A_57 = arith.addi %broadcast_in_dim3A_54, %add3A_56 : vector<16xi32>
      tpu.vector_store_idx %arg7[%add3A_57, %add3A_41], %scan3A_51#1 : memref<2x128xf32, #tpu.memory_space<vmem>>[vector<16xi32>, vector<16xi32>], vector<16xf32>,
    }
    %scan3A_36 = arith.constant 8 : i32
    "tpu.region"() ({
      %run_scoped3A = tpu.sem_alloc : memref<!tpu.dma_semaphore, #tpu.memory_space<semaphore_mem>>
      %dma_start3A_37 = arith.constant 0 : i32
      %dma_start3A_38 = tpu.memref_slice %arg4[%dma_start3A_37, %mul3A_2] : memref<2x4096xf32, #tpu.memory_space<hbm>> -> memref<2x128xf32, #tpu.memory_space<hbm>>
      %dma_start3A_39 = arith.constant 0 : i32
      %dma_start3A_40 = tpu.memref_slice %arg4[%dma_start3A_39, %mul3A_2] : memref<2x4096xf32, #tpu.memory_space<hbm>> -> memref<2x128xf32, #tpu.memory_space<hbm>>
      tpu.enqueue_dma source(%arg7 : memref<2x128xf32, #tpu.memory_space<vmem>>) target(%dma_start3A_40 : memref<2x128xf32, #tpu.memory_space<hbm>>) target_semaphore(%run_scoped3A : memref<!tpu.dma_semaphore, #tpu.memory_space<semaphore_mem>>)
      %dma_wait3A_41 = arith.constant 0 : i32
      %dma_wait3A_42 = tpu.memref_slice %arg4[%dma_wait3A_41, %mul3A_2] : memref<2x4096xf32, #tpu.memory_space<hbm>> -> memref<2x128xf32, #tpu.memory_space<hbm>>
      %dma_wait3A_43 = arith.constant 0 : i32
      %dma_wait3A_44 = tpu.memref_slice %arg4[%dma_wait3A_43, %mul3A_2] : memref<2x4096xf32, #tpu.memory_space<hbm>> -> memref<2x128xf32, #tpu.memory_space<hbm>>
      tpu.wait_dma2 semaphore(%run_scoped3A : memref<!tpu.dma_semaphore, #tpu.memory_space<semaphore_mem>>) src(%arg7 : memref<2x128xf32, #tpu.memory_space<vmem>>) dst(%dma_wait3A_44 : memref<2x128xf32, #tpu.memory_space<hbm>>)
      tpu.yield
    }) : () -> ()
    return
  }
}

module attributes {stable_mosaic.version = 14 : i64} {
  func.func @_p_body(%arg0: i32, %arg1: memref<5120x100xf32, #tpu.memory_space<vmem>>, %arg2: memref<2x100xf32, #tpu.memory_space<vmem>>, %arg3: memref<2x1xf32, #tpu.memory_space<vmem>>, %arg4: memref<1x5120xi32, #tpu.memory_space<vmem>>) attributes {dimension_semantics = [#tpu.dimension_semantics<arbitrary>], iteration_bounds = array<i64: 2>, scalar_prefetch = 0 : i64, scratch_operands = 0 : i64, tpu.core_type = #tpu.core_type<tc>, window_params = [{transform_indices = @transform_0, window_bounds = array<i64: 5120, 100>}, {pipeline_mode = #tpu.pipeline_mode<synchronous>, transform_indices = @transform_1, window_bounds = array<i64: 2, 100>}, {pipeline_mode = #tpu.pipeline_mode<synchronous>, transform_indices = @transform_2, window_bounds = array<i64: 2, 1>}, {transform_indices = @transform_3, window_bounds = array<i64: 1, 5120>}]} {
    %get3A = arith.constant 0 : index
    %get3A_0 = arith.constant 0 : index
    %get3A_1 = vector.load %arg2[%get3A, %get3A_0] : memref<2x100xf32, #tpu.memory_space<vmem>>, vector<2x100xf32>
    %mul3A = arith.constant 5.000000e-03 : f32
    %mul3A_2 = vector.broadcast %mul3A : f32 to vector<2x100xf32>
    %mul3A_3 = arith.mulf %get3A_1, %mul3A_2 : vector<2x100xf32>
    %get3A_4 = arith.constant 0 : index
    %get3A_5 = arith.constant 0 : index
    %get3A_6 = vector.load %arg1[%get3A_4, %get3A_5] : memref<5120x100xf32, #tpu.memory_space<vmem>>, vector<5120x100xf32>
    %dot_general3A = arith.constant dense<0.000000e+00> : vector<2x5120xf32>
    %dot_general3A_7 = tpu.matmul %mul3A_3, %get3A_6, %dot_general3A {dimension_numbers = #tpu.dot_dimension_numbers<[1], [1], [0], [0], [0, 0, 1, 0], [], []>, transpose_lhs_hint = false} : vector<2x100xf32>, vector<5120x100xf32>, vector<2x5120xf32> -> vector<2x5120xf32>
    %iota3A = tpu.iota {dimensions = array<i32: 1>} : vector<2x5120xi32>
    %mul3A_8 = arith.constant 5120 : i32
    %mul3A_9 = arith.muli %arg0, %mul3A_8 : i32
    %add3A = vector.broadcast %mul3A_9 : i32 to vector<2x5120xi32>
    %add3A_10 = arith.addi %iota3A, %add3A : vector<2x5120xi32>
    %eq3A = arith.constant 0 : i32
    %eq3A_11 = vector.broadcast %eq3A : i32 to vector<2x5120xi32>
    %eq3A_12 = arith.cmpi eq, %add3A_10, %eq3A_11 : vector<2x5120xi32>
    %ge3A = arith.constant 10001 : i32
    %ge3A_13 = vector.broadcast %ge3A : i32 to vector<2x5120xi32>
    %ge3A_14 = arith.cmpi sge, %add3A_10, %ge3A_13 : vector<2x5120xi32>
    %or3A = arith.ori %eq3A_12, %ge3A_14 : vector<2x5120xi1>
    %jit3A = arith.constant 0.000000e+00 : f32
    %broadcast_in_dim3A = vector.broadcast %jit3A : f32 to vector<2x5120xf32>
    %select_n3A = arith.select %or3A, %broadcast_in_dim3A, %dot_general3A_7 : vector<2x5120xi1>, vector<2x5120xf32>
    %eq3A_15 = arith.constant 10232 : i32
    %eq3A_16 = vector.broadcast %eq3A_15 : i32 to vector<2x5120xi32>
    %eq3A_17 = arith.cmpi eq, %add3A_10, %eq3A_16 : vector<2x5120xi32>
    %get3A_18 = arith.constant 0 : index
    %get3A_19 = arith.constant 0 : index
    %get3A_20 = vector.load %arg3[%get3A_18, %get3A_19] : memref<2x1xf32, #tpu.memory_space<vmem>>, vector<2x1xf32>
    %broadcast_in_dim3A_21 = vector.shape_cast %get3A_20 : vector<2x1xf32> to vector<2x1xf32>
    %broadcast_in_dim3A_22 = vector.broadcast %broadcast_in_dim3A_21 : vector<2x1xf32> to vector<2x5120xf32>
    %select_n3A_23 = arith.select %eq3A_17, %broadcast_in_dim3A_22, %select_n3A : vector<2x5120xi1>, vector<2x5120xf32>
    %bitcast_convert_type3A = tpu.bitcast %select_n3A_23 : vector<2x5120xf32> -> vector<2x5120xi32>
    %slice3A = vector.extract_strided_slice %bitcast_convert_type3A {offsets = [0, 0], sizes = [1, 5120], strides = [1, 1]} : vector<2x5120xi32> to vector<1x5120xi32>
    %add3A_24 = arith.constant 32767 : i32
    %add3A_25 = vector.broadcast %add3A_24 : i32 to vector<1x5120xi32>
    %add3A_26 = arith.addi %slice3A, %add3A_25 : vector<1x5120xi32>
    %shift_right_logical3A = arith.constant 16 : i32
    %shift_right_logical3A_27 = vector.broadcast %shift_right_logical3A : i32 to vector<1x5120xi32>
    %shift_right_logical3A_28 = arith.shrui %slice3A, %shift_right_logical3A_27 : vector<1x5120xi32>
    %and3A = arith.constant 1 : i32
    %and3A_29 = vector.broadcast %and3A : i32 to vector<1x5120xi32>
    %and3A_30 = arith.andi %shift_right_logical3A_28, %and3A_29 : vector<1x5120xi32>
    %add3A_31 = arith.addi %add3A_26, %and3A_30 : vector<1x5120xi32>
    %and3A_32 = arith.constant -65536 : i32
    %and3A_33 = vector.broadcast %and3A_32 : i32 to vector<1x5120xi32>
    %and3A_34 = arith.andi %add3A_31, %and3A_33 : vector<1x5120xi32>
    %slice3A_35 = vector.extract_strided_slice %bitcast_convert_type3A {offsets = [1, 0], sizes = [1, 5120], strides = [1, 1]} : vector<2x5120xi32> to vector<1x5120xi32>
    %add3A_36 = arith.constant 32767 : i32
    %add3A_37 = vector.broadcast %add3A_36 : i32 to vector<1x5120xi32>
    %add3A_38 = arith.addi %slice3A_35, %add3A_37 : vector<1x5120xi32>
    %shift_right_logical3A_39 = arith.constant 16 : i32
    %shift_right_logical3A_40 = vector.broadcast %shift_right_logical3A_39 : i32 to vector<1x5120xi32>
    %shift_right_logical3A_41 = arith.shrui %slice3A_35, %shift_right_logical3A_40 : vector<1x5120xi32>
    %and3A_42 = arith.constant 1 : i32
    %and3A_43 = vector.broadcast %and3A_42 : i32 to vector<1x5120xi32>
    %and3A_44 = arith.andi %shift_right_logical3A_41, %and3A_43 : vector<1x5120xi32>
    %add3A_45 = arith.addi %add3A_38, %and3A_44 : vector<1x5120xi32>
    %and3A_46 = arith.constant -65536 : i32
    %and3A_47 = vector.broadcast %and3A_46 : i32 to vector<1x5120xi32>
    %and3A_48 = arith.andi %add3A_45, %and3A_47 : vector<1x5120xi32>
    %shift_right_logical3A_49 = arith.constant 16 : i32
    %shift_right_logical3A_50 = vector.broadcast %shift_right_logical3A_49 : i32 to vector<1x5120xi32>
    %shift_right_logical3A_51 = arith.shrui %and3A_48, %shift_right_logical3A_50 : vector<1x5120xi32>
    %or3A_52 = arith.ori %and3A_34, %shift_right_logical3A_51 : vector<1x5120xi32>
    %bitcast_convert_type3A_53 = tpu.bitcast %or3A_52 : vector<1x5120xi32> -> vector<1x5120xi32>
    %swap3A = arith.constant 0 : index
    %swap3A_54 = arith.constant 0 : index
    %swap3A_55 = vector.load %arg4[%swap3A, %swap3A_54] : memref<1x5120xi32, #tpu.memory_space<vmem>>, vector<1x5120xi32>
    tpu.vector_store %arg4[%swap3A, %swap3A_54], %bitcast_convert_type3A_53 {strides = array<i32>} : memref<1x5120xi32, #tpu.memory_space<vmem>>, vector<1x5120xi32>,
    return
  }
  func.func @transform_0(%arg0: i32) -> (i32, i32) {
    %c0_i32 = arith.constant 0 : i32
    %c0_i32_0 = arith.constant 0 : i32
    return %arg0, %c0_i32 : i32, i32
  }
  func.func @transform_1(%arg0: i32) -> (i32, i32) {
    %c0_i32 = arith.constant 0 : i32
    %c0_i32_0 = arith.constant 0 : i32
    %c0_i32_1 = arith.constant 0 : i32
    return %c0_i32, %c0_i32_0 : i32, i32
  }
  func.func @transform_2(%arg0: i32) -> (i32, i32) {
    %c0_i32 = arith.constant 0 : i32
    %c0_i32_0 = arith.constant 0 : i32
    %c0_i32_1 = arith.constant 0 : i32
    return %c0_i32, %c0_i32_0 : i32, i32
  }
  func.func @transform_3(%arg0: i32) -> (i32, i32) {
    %c0_i32 = arith.constant 0 : i32
    %c0_i32_0 = arith.constant 0 : i32
    return %c0_i32, %arg0 : i32, i32
  }
}

</mosaic_0001>

<sc_bundles>
// kernel: kernel.4.cloned.1.call-start
scs
__scs_entry_jumppad:
0x0: {  	(pc) =	sbr.rel $0x88, $3  }
0x1: {  	(tag) =	ssettag $0x0;
	lr =	simm.s32 $0x1  }
0x2: {  	[smem:$0x3F9D] =	sst lr;
	_ =	strace $0xD0000000  }
0x3: {  	_ = 	snop  }
0x4: {  	_ = 	snop  }
0x5: {  	_ = 	snop  }
0x6: {  	_ = 	snop  }
0x7: {  	_ = 	snop  }
__scs_overlays_trampoline_lowered:
0x8: {  	[smem:$0x3FAC] =	sst s0  }
0x9: {  	[smem:$0x3FAD] =	sst s1  }
0xa: {  	[smem:$0x3FAE] =	sst s2  }
0xb: {  	[smem:$0x3FAF] =	sst s3  }
0xc: {  	[smem:$0x3FB0] =	sst s4  }
0xd: {  	[smem:$0x3FB1] =	sst s5  }
0xe: {  	[smem:$0x3FB2] =	sst s6  }
0xf: {  	[smem:$0x3FB3] =	sst s7  }
0x10: {  	[smem:$0x3FB4] =	sst s8  }
0x11: {  	[smem:$0x3FB5] =	sst s9;
	s0 =	simm.s32 @!p0 $0x0  }
0x12: {  	s1 =	sld [smem:$0x3F9B];
	s0 =	simm.s32 @p0 $0x1  }
0x13: {  	[smem:$0x3FB6] =	sst s0;
	s0 =	simm.s32 @!p1 $0x0  }
0x14: {  	s2 =	sld [smem:$0x3F9A];
	s0 =	simm.s32 @p1 $0x1  }
0x15: {  	[smem:$0x3FB7] =	sst s0;
	s0 =	simm.s32 @!p2 $0x0  }
0x16: {  	s3 =	sld [smem:$0x3FDB];
	s0 =	simm.s32 @p2 $0x1  }
0x17: {  	s4 =	simm.s32 $0x1BF5;
	[smem:$0x3FB9] =	sst s0  }
0x18: {  	s0 =	sld [smem:$0x3F9C];
	_ =	swait.ge [sflag:s4], $0x0  }
0x19: {  	s7 =	sld [smem:$0x3F9D]  }
0x1a: {  	s8 =	sadd.s32 $0xFFFFE003, lr  }
0x1b: {  	s9 =	sadd.s32 $0xFFFFFEF7, lr;
	s5 =	simm.s32 $0xFFFFFFFF;
	p2 =	slt.u32 s8, $0xFFFFF086  }
0x1c: {  	p1 =	slt.u32 s9, $0xF7A;
	s5 =	simm.s32 @!p2 $0x0  }
0x1d: {  	s5 =	simm.s32 @p1 $0x1;
	p0 =	seq.s32 s7, s2  }
0x1e: {  	s7 =	smul.u32 @!p0 $0xF7A, s2;
	p2 =	seq.s32 @!p0 s5, $0x0  }
0x1f: {  	s9 =	smul.u32 $0xF7A, s1;
	s8 =	simm.s32 @!p0 $0x1BF5;
	p2 =	por !p2, p0  }
0x20: {  	[sflag:s8] =	ssyncset.s32 @!p0 $0xFFFFF086;
	s6 =	sadd.s32 @!p0 s3, s7;
	s7 =	simm.s32 @!p0 $0x108  }
0x21: {  	s3 =	sadd.s32 s3, s9;
	s6 =	sadd.s32 @!p0 $0x88, s6;
	s7 =	simm.s32 @p2 $0x1082  }
0x22: {  	[simem:s7], [sflag:s8] =	dma.local @!p0 [hbm:s6], $0xF7A  }
0x23: {  	s9 =	sor.u32 $0xD0000000, s2;
	s6 =	simm.s32 $0x108;
	_ =	swait.ge @!p0 [sflag:s8], $0x0  }
0x24: {  	s3 =	sadd.s32 $0x88, s3;
	s6 =	simm.s32 @!p1 $0x1082;
	[sflag:s4] =	ssyncset.s32 $0xFFFFF086  }
0x25: {  	[simem:s6], [sflag:s4] =	dma.local [hbm:s3], $0xF7A  }
0x26: {  	[smem:$0x3F9D] =	sst s1;
	(tag) =	ssettag s2;
	_ =	strace s9  }
0x27: {  	s1 =	sld [smem:$0x3FAD]  }
0x28: {  	s2 =	sld [smem:$0x3FAE]  }
0x29: {  	s4 =	sld [smem:$0x3FB0]  }
0x2a: {  	p0 =	seq.s32 s5, $0x0;
	s5 =	sld [smem:$0x3FB1]  }
0x2b: {  	s6 =	sld [smem:$0x3FB2]  }
0x2c: {  	s7 =	sld [smem:$0x3FB3]  }
0x2d: {  	s3 =	simm.s32 $0x108;
	s8 =	sld [smem:$0x3FB4]  }
0x2e: {  	s3 =	simm.s32 @!p0 $0x1082;
	s9 =	sld [smem:$0x3FB5]  }
0x2f: {  	lr =	sadd.s32 s0, s3;
	s0 =	sld [smem:$0x3FAC]  }
0x30: {  	s3 =	sld [smem:$0x3FAF]  }
0x31: {  	[smem:$0x3FB8] =	sst s10  }
0x32: {  	s10 =	sld [smem:$0x3FB6];
	_ =	sdelay $0x3  }
0x33: {  	p0 =	seq.s32 s10, $0x1;
	s10 =	sld [smem:$0x3FB8];
	_ =	sdelay $0x3  }
0x34: {  	[smem:$0x3FB8] =	sst s10  }
0x35: {  	s10 =	sld [smem:$0x3FB7];
	_ =	sdelay $0x3  }
0x36: {  	p1 =	seq.s32 s10, $0x1;
	s10 =	sld [smem:$0x3FB8];
	_ =	sdelay $0x3  }
0x37: {  	[smem:$0x3FB8] =	sst s10  }
0x38: {  	s10 =	sld [smem:$0x3FB9]  }
0x39: {  	_ = 	snop;
	(pc) =	sbr.ind lr, $3  }
0x3a: {  	_ = 	snop  }
0x3b: {  	_ = 	snop  }
0x3c: {  	p2 =	seq.s32 s10, $0x1;
	s10 =	sld [smem:$0x3FB8]  }
0x3d: {  	_ =	shalt  }
0x3e: {  	_ =	shalt  }
0x3f: {  	_ =	shalt  }
0x40: {  	_ =	shalt  }
0x41: {  	_ =	shalt  }
0x42: {  	_ =	shalt  }
0x43: {  	_ =	shalt  }
0x44: {  	_ =	shalt  }
0x45: {  	_ =	shalt  }
0x46: {  	_ =	shalt  }
0x47: {  	_ =	shalt  }
0x48: {  	_ =	shalt  }
0x49: {  	_ =	shalt  }
0x4a: {  	_ =	shalt  }
0x4b: {  	_ =	shalt  }
0x4c: {  	_ =	shalt  }
0x4d: {  	_ =	shalt  }
0x4e: {  	_ =	shalt  }
0x4f: {  	_ =	shalt  }
0x50: {  	_ =	shalt  }
0x51: {  	_ =	shalt  }
0x52: {  	_ =	shalt  }
0x53: {  	_ =	shalt  }
0x54: {  	_ =	shalt  }
0x55: {  	_ =	shalt  }
0x56: {  	_ =	shalt  }
0x57: {  	_ =	shalt  }
0x58: {  	_ =	shalt  }
0x59: {  	_ =	shalt  }
0x5a: {  	_ =	shalt  }
0x5b: {  	_ =	shalt  }
0x5c: {  	_ =	shalt  }
0x5d: {  	_ =	shalt  }
0x5e: {  	_ =	shalt  }
0x5f: {  	_ =	shalt  }
0x60: {  	_ =	shalt  }
0x61: {  	_ =	shalt  }
0x62: {  	_ =	shalt  }
0x63: {  	_ =	shalt  }
0x64: {  	_ =	shalt  }
0x65: {  	_ =	shalt  }
0x66: {  	_ =	shalt  }
0x67: {  	_ =	shalt  }
0x68: {  	_ =	shalt  }
0x69: {  	_ =	shalt  }
0x6a: {  	_ =	shalt  }
0x6b: {  	_ =	shalt  }
0x6c: {  	_ =	shalt  }
0x6d: {  	_ =	shalt  }
0x6e: {  	_ =	shalt  }
0x6f: {  	_ =	shalt  }
0x70: {  	_ =	shalt  }
0x71: {  	_ =	shalt  }
0x72: {  	_ =	shalt  }
0x73: {  	_ =	shalt  }
0x74: {  	_ =	shalt  }
0x75: {  	_ =	shalt  }
0x76: {  	_ =	shalt  }
0x77: {  	_ =	shalt  }
0x78: {  	_ =	shalt  }
0x79: {  	_ =	shalt  }
0x7a: {  	_ =	shalt  }
0x7b: {  	_ =	shalt  }
0x7c: {  	_ =	shalt  }
0x7d: {  	_ =	shalt  }
0x7e: {  	_ =	shalt  }
0x7f: {  	_ =	shalt  }
0x80: {  	_ =	shalt  }
0x81: {  	_ =	shalt  }
0x82: {  	_ =	shalt  }
0x83: {  	_ =	shalt  }
0x84: {  	_ =	shalt  }
0x85: {  	_ =	shalt  }
0x86: {  	_ =	shalt  }
0x87: {  	_ =	shalt  }
.Lfunc_end0:
.L_simem_size_0:
called_computation_lowered:
.L_overlay_start_0:
0x88: {  	s2 =	sld [smem:$0x3FD9]  }
0x89: {  	s3 =	sld [smem:$0x3FFE];
	_ =	sdelay $0x1  }
0x8a: {  	s1 =	srdreg.scid  }
0x8b: {  	s0 =	sand.u32 $0x1, s1  }
0x8c: {  	s16 =	sshll.u32 s0, $0xA;
	s2 =	sadd.s32 s3, s2  }
0x8d: {  	s2 =	sadd.s32 s2, s16  }
0x8e: {  	[smem:$0x3FC4] =	sst s2  }
0x8f: {  	_ = 	snop  }
0x90: {  	(tm) =	ssettm $0x1  }
0x91: {  	s17 =	sld [smem:$0x3FFB];
	_ =	sdelay $0x3  }
0x92: {  	_ =	strace s17  }
0x93: {  	s2 =	sld [smem:$0x3FFC];
	_ =	sdelay $0x3  }
0x94: {  	_ =	strace s2  }
0x95: {  	s2 =	sld [smem:$0x3FFD];
	_ =	sdelay $0x3  }
0x96: {  	_ =	strace s2  }
0x97: {  	_ =	strace $0x8FFFFFFF  }
0x98: {  	s18 =	sld [smem:$0x3FDB];
	_ =	sdelay $0x1  }
0x99: {  	s19 =	simm.s32 $_scs_section_size  }
0x9a: {  	s4 =	simm.s32 $_size__tile_overlayer_lowered;
	s5 =	simm.s32 $_tile_overlayer_lowered  }
0x9b: {  	s22 =	simm.s32 $0x1BFF;
	s21 =	sshll.u32 s5, $0x1;
	s2 =	sadd.s32 s19, s18  }
0x9c: {  	s6 =	simm.s32 $0x0;
	s20 =	sshll.u32 s4, $0x1;
	s4 =	sadd.s32 s21, s2  }
0x9d: {  	[timem:s6], [sflag:s22] =	dma.local [hbm:s4], s20  }
0x9e: {  	_ =	swait.ge [sflag:s22], s20  }
0x9f: {  	s3 =	ssub.s32 $0x0, s20;
	[sflag:s22] =	ssyncset.done $0x0  }
0xa0: {  	[sflag:s22] =	ssyncadd.s32 s3;
	_ =	sdelay $0x1  }
0xa1: {  	s23 =	simm.s32 $0x1B8B  }
0xa2: {  	_ =	swait.ge [sflag:s23], $0x1  }
0xa3: {  	[sflag:s23] =	ssyncset.done $0x0  }
0xa4: {  	s25 =	simm.s32 $0x1B8E;
	s24 =	sld [smem:$0x3FFE];
	[sflag:s23] =	ssyncadd.s32 $0xFFFFFFFF  }
0xa5: {  	s26 =	simm.s32 $execute0_lowered;
	[smem:$0x3FD2] =	sst s25  }
0xa6: {  	s4 =	sshll.u32 s26, $0x1;
	_ =	strace $0x80000046;
	[dreg:$0x1] =	wrdreg $0xFFFFFFFF  }
0xa7: {  	s28 =	simm.s32 $_size_execute0_lowered;
	s2 =	sadd.s32 s2, s4;
	[dreg:$0x0] =	wrdreg $0x0  }
0xa8: {  	s4 =	sshll.u32 s28, $0x1;
	[dreg:$0x2] =	wrdreg s2  }
0xa9: {  	[dreg:$0x3] =	wrdreg s4  }
0xaa: {  	[dreg:$0x4] =	wrdreg $0xC0  }
0xab: {  	_ =	task [dreg:s6], $0x5FFFF  }
0xac: {  	[dreg:$0x1] =	wrdreg $0xFFFFFFFF  }
0xad: {  	[dreg:$0x0] =	wrdreg $0x60  }
0xae: {  	[dreg:$0x2] =	wrdreg s24  }
0xaf: {  	[dreg:$0x3] =	wrdreg $0x9  }
0xb0: {  	_ =	task.clear_ibuf [dreg:s6], $0x4FFFF;
	_ =	strace $0x90000046  }
0xb1: {  	s29 =	simm.s32 $0x9;
	_ =	strace $0x80000048  }
0xb2: {  	_ =	swait.ge [sflag:s29], $0x1  }
0xb3: {  	[sflag:s29] =	ssyncadd.s32 $0xFFFFFFFF  }
0xb4: {  	_ =	strace $0x90000048  }
0xb5: {  	_ =	sfence  }
0xb6: {  	s30 =	sld [smem:$0x0];
	_ =	sdelay $0x2  }
0xb7: {  	s31 =	sshll.u32 s1, $0xD;
	s1 =	sshrl.u32 s1, $0x2  }
0xb8: {  	s3 =	sand.u32 $0x4000, s31;
	s1 =	sadd.s32 s1, s30  }
0xb9: {  	s0 =	sor.u32 s3, s0;
	s1 =	sshll.u32 s1, $0x11  }
0xba: {  	s0 =	sor.u32 s1, s0  }
0xbb: {  	s0 =	sadd.s32 $0x8F2B, s0  }
0xbc: {  	[sflag:s0] =	ssyncadd.remote.s32 $0x1  }
0xbd: {  	_ =	sfence.sel $0xFFFF  }
0xbe: {  	[dreg:$0x0] =	wrdreg $0xFFFFFFFF;
	(pc) =	sbr.abs _section_cstart, $3  }
0xbf: {  	[dreg:$0x1] =	wrdreg $0xFFFFFFFF  }
0xc0: {  	_ =	task.clear_ibuf [dreg:s6], $0x2FFFF;
	_ =	strace $0x9FFFFFFF  }
0xc1: {  	(tm) =	ssettm $0x7FFFFFFF  }
tec
execute0_lowered:
.L_overlay_start_1:
0x0: {  	(tag) =	ssettag $0x1  }
0x1: {  	s1 =	srdreg.scid;
	s0 =	stileid.u32  }
0x2: {  	s4 =	rddreg [dreg:$0x0];
	s2 =	simm.s32 $0x0;
	s8 =	simm.s32 $0x1  }
0x3: {  	s9 =	simm.s32 $0x2;
	s10 =	simm.s32 $0x8C00;
	s11 =	simm.s32 $0x80  }
0x4: {  	s12 =	simm.s32 $0x1000;
	s13 =	simm.s32 $0x3;
	s14 =	simm.s32 $0x0  }
0x5: {  	s3 =	sand.u32 $0x1, s1;
	s5 =	sshll.u32 s0, $0x1;
	[smem:$0x7FF] =	sst s2  }
0x6: {  	s1 =	rddreg [dreg:$0x1];
	s5 =	sor.u32 s3, s5;
	_ =	strace $0x80000047  }
0x7: {  	s7 =	ssub.s32 $0x2, s3;
	s6 =	smul.u32 $0xC80, s5;
	s5 =	sshll.u32 s5, $0x4  }
0x8: {  	v0 =	vlaneseq.u32;
	s3 =	sadd.s32 $0x19C00, s4;
	s31 =	sshrl.u32 s7, $0x1;
	s5 =	sadd.s32 s5, s4  }
0x9: {  	v1 =	vimm.s32 $0x27F8;
	v4 =	vand.u32 $0x7, v0;
	s7 =	ssub.s32 s7, s31;
	s6 =	sadd.s32 s6, s4;
	s5 =	sadd.s32 $0x1A200, s5  }
0xa: {  	v2 =	vor.u32 $0x78, v0;
	v3 =	vor.u32 $0xFFFFFFF8, v4;
	v4 =	vor.u32 $0x80, v4;
	s4 =	sadd.s32 $0xC00, s6;
	s6 =	smax.u32 s7, $0x1;
	s7 =	simm.s32 $0x6400  }
.LBB2_1:
0xb: {  	[tilespmem:s2], [sflag:$0x1] =	stream.linear.gather [hbm4b:s4+s2], $0x6400, $0x38;
	[tilespmem:$0x8D00] =	vst v63  }
0xc: {  	_ = 	snop  }
0xd: {  	[tilespmem:s7], [sflag:$0x2] =	stream.linear.gather [hbm4b:s3+s2], $0x2800, $0x38;
	[tilespmem:$0x8D00] =	vst v63  }
0xe: {  	_ =	swait.ge [sflag:s8], $0x6400  }
0xf: {  	[sflag:s8] =	ssyncset.done $0x0  }
0x10: {  	[sflag:s8] =	ssyncadd.s32 $0xFFFF9C00  }
0x11: {  	_ =	swait.ge [sflag:s9], $0x2800  }
0x12: {  	[sflag:s9] =	ssyncset.done $0x0  }
0x13: {  	s15 =	simm.s32 $0x0;
	[sflag:s9] =	ssyncadd.s32 $0xFFFFD800  }
.LBB2_2:
0x14: {  	s16 =	sshll.u32 s15, $0x4  }
0x15: {  	v5 =	vor.u32 s16, v0  }
0x16: {  	s26 =	simm.s32 $0x0;
	v6 =	vand.u32 v2, v5  }
0x17: {  	v7 =	vor.u32 s26, v6  }
0x18: {  	s28 =	simm.s32 $0x80  }
0x19: {  	v8 =	vor.u32 s28, v6  }
0x1a: {  	s29 =	simm.s32 $0x100  }
0x1b: {  	s30 =	simm.s32 $0x180;
	v9 =	vor.u32 s29, v6  }
0x1c: {  	s31 =	simm.s32 $0x200;
	v10 =	vor.u32 s30, v6;
	v7 =	vld.idx.msk [tilespmem:v7+s2+$0x0], $0xffff  }
0x1d: {  	s17 =	simm.s32 $0x280;
	v11 =	vor.u32 s31, v6  }
0x1e: {  	v12 =	vor.u32 s17, v6;
	v8 =	vld.idx.msk [tilespmem:v8+s2+$0x0], $0xffff  }
0x1f: {  	v13 =	vld.idx.msk [tilespmem:v1+s7+$0x0], $0xffff;
	s18 =	simm.s32 $0x300  }
0x20: {  	v14 =	vor.u32 s18, v6;
	v9 =	vld.idx.msk [tilespmem:v9+s2+$0x0], $0xffff  }
0x21: {  	s19 =	simm.s32 $0x380;
	v10 =	vld.idx.msk [tilespmem:v10+s2+$0x0], $0xffff  }
0x22: {  	v15 =	vor.u32 s19, v6;
	v11 =	vld.idx.msk [tilespmem:v11+s2+$0x0], $0xffff  }
0x23: {  	s21 =	simm.s32 $0x480;
	v12 =	vld.idx.msk [tilespmem:v12+s2+$0x0], $0xffff  }
0x24: {  	v17 =	vor.u32 s21, v6;
	v7 =	vld.idx.msk [tilespmem:v7+s7+$0x0], $0xffff  }
0x25: {  	s20 =	simm.s32 $0x400;
	v14 =	vld.idx.msk [tilespmem:v14+s2+$0x0], $0xffff  }
0x26: {  	v16 =	vor.u32 s20, v6;
	v8 =	vld.idx.msk [tilespmem:v8+s7+$0x0], $0xffff  }
0x27: {  	v15 =	vld.idx.msk [tilespmem:v15+s2+$0x0], $0xffff  }
0x28: {  	v18 =	vand.u32 $0xFFFF0000, v13;
	v9 =	vld.idx.msk [tilespmem:v9+s7+$0x0], $0xffff  }
0x29: {  	s22 =	simm.s32 $0x500;
	v13 =	vshll.u32 v13, $0x10;
	v17 =	vld.idx.msk [tilespmem:v17+s2+$0x0], $0xffff;
	v19 =	vand.u32 $0xFFFF0000, v7;
	v7 =	vshll.u32 v7, $0x10  }
0x2a: {  	s23 =	simm.s32 $0x580;
	v20 =	vor.u32 s22, v6;
	v10 =	vld.idx.msk [tilespmem:v10+s7+$0x0], $0xffff;
	v18 =	vadd.f32 v19, v18;
	v7 =	vadd.f32 v7, v13  }
0x2b: {  	v13 =	vld.idx.msk [tilespmem:v16+s2+$0x0], $0xffff;
	v16 =	vand.u32 $0xFFFF0000, v8;
	v8 =	vshll.u32 v8, $0x10;
	v19 =	vor.u32 s23, v6  }
0x2c: {  	s24 =	simm.s32 $0x600;
	v11 =	vld.idx.msk [tilespmem:v11+s7+$0x0], $0xffff;
	v16 =	vadd.f32 v16, v18;
	v7 =	vadd.f32 v8, v7  }
0x2d: {  	v12 =	vld.idx.msk [tilespmem:v12+s7+$0x0], $0xffff;
	v8 =	vand.u32 $0xFFFF0000, v9;
	v9 =	vshll.u32 v9, $0x10;
	v18 =	vor.u32 s24, v6  }
0x2e: {  	v14 =	vld.idx.msk [tilespmem:v14+s7+$0x0], $0xffff;
	v8 =	vadd.f32 v8, v16;
	v7 =	vadd.f32 v9, v7  }
0x2f: {  	s25 =	simm.s32 $0x680;
	v16 =	vld.idx.msk [tilespmem:v20+s2+$0x0], $0xffff;
	v9 =	vand.u32 $0xFFFF0000, v10;
	v10 =	vshll.u32 v10, $0x10  }
0x30: {  	s26 =	simm.s32 $0x700;
	v20 =	vor.u32 s25, v6;
	v19 =	vld.idx.msk [tilespmem:v19+s2+$0x0], $0xffff;
	v8 =	vadd.f32 v9, v8;
	v7 =	vadd.f32 v10, v7  }
0x31: {  	v9 =	vand.u32 $0xFFFF0000, v11;
	v10 =	vshll.u32 v11, $0x10;
	v11 =	vld.idx.msk [tilespmem:v15+s7+$0x0], $0xffff;
	v15 =	vor.u32 s26, v6  }
0x32: {  	s28 =	simm.s32 $0x780;
	v18 =	vld.idx.msk [tilespmem:v18+s2+$0x0], $0xffff;
	v8 =	vadd.f32 v9, v8;
	v7 =	vadd.f32 v10, v7  }
0x33: {  	v9 =	vand.u32 $0xFFFF0000, v12;
	v10 =	vshll.u32 v12, $0x10;
	v12 =	vld.idx.msk [tilespmem:v13+s7+$0x0], $0xffff;
	v13 =	vor.u32 s28, v6  }
0x34: {  	s29 =	simm.s32 $0x800;
	v17 =	vld.idx.msk [tilespmem:v17+s7+$0x0], $0xffff;
	v9 =	vadd.f32 v9, v8;
	v7 =	vadd.f32 v10, v7  }
0x35: {  	v8 =	vld.idx.msk [tilespmem:v20+s2+$0x0], $0xffff;
	v10 =	vand.u32 $0xFFFF0000, v14;
	v14 =	vshll.u32 v14, $0x10;
	v20 =	vor.u32 s29, v6  }
0x36: {  	s30 =	simm.s32 $0x880;
	v10 =	vadd.f32 v10, v9;
	v7 =	vadd.f32 v14, v7;
	v9 =	vld.idx.msk [tilespmem:v15+s2+$0x0], $0xffff  }
0x37: {  	v21 =	vor.u32 s30, v6;
	v15 =	vand.u32 $0xFFFF0000, v11;
	v11 =	vshll.u32 v11, $0x10;
	v14 =	vld.idx.msk [tilespmem:v16+s7+$0x0], $0xffff  }
0x38: {  	s31 =	simm.s32 $0x900;
	v15 =	vadd.f32 v15, v10;
	v7 =	vadd.f32 v11, v7;
	v10 =	vld.idx.msk [tilespmem:v13+s2+$0x0], $0xffff  }
0x39: {  	v16 =	vor.u32 s31, v6;
	v11 =	vand.u32 $0xFFFF0000, v12;
	v13 =	vshll.u32 v12, $0x10;
	v12 =	vld.idx.msk [tilespmem:v19+s7+$0x0], $0xffff  }
0x3a: {  	s17 =	simm.s32 $0x980;
	v11 =	vadd.f32 v11, v15;
	v19 =	vadd.f32 v13, v7;
	v7 =	vld.idx.msk [tilespmem:v20+s2+$0x0], $0xffff  }
0x3b: {  	v22 =	vshll.u32 v17, $0x10;
	v20 =	vand.u32 $0xFFFF0000, v17;
	v13 =	vld.idx.msk [tilespmem:v18+s7+$0x0], $0xffff;
	v15 =	vor.u32 s17, v6  }
0x3c: {  	s16 =	simm.s32 $0x1380;
	s18 =	simm.s32 $0xA00;
	s17 =	simm.s32 $0x3B;
	v17 =	vadd.f32 v20, v11;
	v18 =	vadd.f32 v22, v19;
	v11 =	vld.idx.msk [tilespmem:v21+s2+$0x0], $0xffff  }
.LBB2_3:
0x3d: {  	p0 =	sne.s32 s17, $0xC7;
	v19 =	vor.u32 s18, v6;
	v20 =	vand.u32 $0xFFFF0000, v14;
	v14 =	vshll.u32 v14, $0x10;
	v8 =	vld.idx.msk [tilespmem:v8+s7+$0x0], $0xffff  }
0x3e: {  	s18 =	sadd.s32 $0xFFFFF700, s16;
	v17 =	vadd.f32 v20, v17;
	v14 =	vadd.f32 v14, v18;
	v16 =	vld.idx.msk [tilespmem:v16+s2+$0x0], $0xffff  }
0x3f: {  	v18 =	vor.u32 s18, v6;
	v20 =	vand.u32 $0xFFFF0000, v12;
	v12 =	vshll.u32 v12, $0x10;
	v9 =	vld.idx.msk [tilespmem:v9+s7+$0x0], $0xffff  }
0x40: {  	s18 =	sadd.s32 $0xFFFFF780, s16;
	v17 =	vadd.f32 v20, v17;
	v12 =	vadd.f32 v12, v14;
	v14 =	vld.idx.msk [tilespmem:v15+s2+$0x0], $0xffff  }
0x41: {  	v15 =	vor.u32 s18, v6;
	v20 =	vand.u32 $0xFFFF0000, v13;
	v13 =	vshll.u32 v13, $0x10;
	v10 =	vld.idx.msk [tilespmem:v10+s7+$0x0], $0xffff  }
0x42: {  	s18 =	sadd.s32 $0xFFFFF800, s16;
	v19 =	vld.idx.msk [tilespmem:v19+s2+$0x0], $0xffff;
	v17 =	vadd.f32 v20, v17;
	v12 =	vadd.f32 v13, v12  }
0x43: {  	v13 =	vor.u32 s18, v6;
	v20 =	vand.u32 $0xFFFF0000, v8;
	v8 =	vshll.u32 v8, $0x10;
	v7 =	vld.idx.msk [tilespmem:v7+s7+$0x0], $0xffff  }
0x44: {  	s18 =	sadd.s32 $0xFFFFF880, s16;
	v18 =	vld.idx.msk [tilespmem:v18+s2+$0x0], $0xffff;
	v17 =	vadd.f32 v20, v17;
	v8 =	vadd.f32 v8, v12  }
0x45: {  	v12 =	vor.u32 s18, v6;
	v20 =	vand.u32 $0xFFFF0000, v9;
	v9 =	vshll.u32 v9, $0x10;
	v11 =	vld.idx.msk [tilespmem:v11+s7+$0x0], $0xffff  }
0x46: {  	s18 =	sadd.s32 $0xFFFFF900, s16;
	v15 =	vld.idx.msk [tilespmem:v15+s2+$0x0], $0xffff;
	v17 =	vadd.f32 v20, v17;
	v8 =	vadd.f32 v9, v8  }
0x47: {  	v9 =	vor.u32 s18, v6;
	v20 =	vand.u32 $0xFFFF0000, v10;
	v10 =	vshll.u32 v10, $0x10;
	v16 =	vld.idx.msk [tilespmem:v16+s7+$0x0], $0xffff  }
0x48: {  	s18 =	sadd.s32 $0xFFFFF980, s16;
	v13 =	vld.idx.msk [tilespmem:v13+s2+$0x0], $0xffff;
	v17 =	vadd.f32 v20, v17;
	v8 =	vadd.f32 v10, v8  }
0x49: {  	v10 =	vor.u32 s18, v6;
	v20 =	vand.u32 $0xFFFF0000, v7;
	v7 =	vshll.u32 v7, $0x10;
	v14 =	vld.idx.msk [tilespmem:v14+s7+$0x0], $0xffff  }
0x4a: {  	s18 =	sadd.s32 $0xFFFFFA00, s16;
	v12 =	vld.idx.msk [tilespmem:v12+s2+$0x0], $0xffff;
	v17 =	vadd.f32 v20, v17;
	v7 =	vadd.f32 v7, v8  }
0x4b: {  	v20 =	vand.u32 $0xFFFF0000, v11;
	v11 =	vshll.u32 v11, $0x10;
	v8 =	vld.idx.msk [tilespmem:v19+s7+$0x0], $0xffff;
	v19 =	vor.u32 s18, v6  }
0x4c: {  	s18 =	sadd.s32 $0xFFFFFA80, s16;
	v9 =	vld.idx.msk [tilespmem:v9+s2+$0x0], $0xffff;
	v17 =	vadd.f32 v20, v17;
	v7 =	vadd.f32 v11, v7  }
0x4d: {  	v20 =	vand.u32 $0xFFFF0000, v16;
	v16 =	vshll.u32 v16, $0x10;
	v11 =	vld.idx.msk [tilespmem:v18+s7+$0x0], $0xffff;
	v18 =	vor.u32 s18, v6  }
0x4e: {  	s18 =	sadd.s32 $0xFFFFFB00, s16;
	v10 =	vld.idx.msk [tilespmem:v10+s2+$0x0], $0xffff;
	v17 =	vadd.f32 v20, v17;
	v7 =	vadd.f32 v16, v7  }
0x4f: {  	v16 =	vor.u32 s18, v6;
	v20 =	vand.u32 $0xFFFF0000, v14;
	v14 =	vshll.u32 v14, $0x10;
	v15 =	vld.idx.msk [tilespmem:v15+s7+$0x0], $0xffff  }
0x50: {  	s18 =	sadd.s32 $0xFFFFFB80, s16;
	v19 =	vld.idx.msk [tilespmem:v19+s2+$0x0], $0xffff;
	v17 =	vadd.f32 v20, v17;
	v7 =	vadd.f32 v14, v7  }
0x51: {  	v14 =	vand.u32 $0xFFFF0000, v8;
	v8 =	vshll.u32 v8, $0x10;
	v20 =	vor.u32 s18, v6;
	v13 =	vld.idx.msk [tilespmem:v13+s7+$0x0], $0xffff  }
0x52: {  	s18 =	sadd.s32 $0xFFFFFC00, s16;
	v14 =	vadd.f32 v14, v17;
	v7 =	vadd.f32 v8, v7;
	v8 =	vld.idx.msk [tilespmem:v18+s2+$0x0], $0xffff  }
0x53: {  	v17 =	vand.u32 $0xFFFF0000, v11;
	v11 =	vshll.u32 v11, $0x10;
	v18 =	vor.u32 s18, v6;
	v12 =	vld.idx.msk [tilespmem:v12+s7+$0x0], $0xffff  }
0x54: {  	s18 =	sadd.s32 $0xFFFFFC80, s16;
	v14 =	vadd.f32 v17, v14;
	v7 =	vadd.f32 v11, v7;
	v11 =	vld.idx.msk [tilespmem:v16+s2+$0x0], $0xffff  }
0x55: {  	v16 =	vand.u32 $0xFFFF0000, v15;
	v15 =	vshll.u32 v15, $0x10;
	v17 =	vor.u32 s18, v6;
	v9 =	vld.idx.msk [tilespmem:v9+s7+$0x0], $0xffff  }
0x56: {  	s18 =	sadd.s32 $0xFFFFFD00, s16;
	v14 =	vadd.f32 v16, v14;
	v7 =	vadd.f32 v15, v7;
	v15 =	vld.idx.msk [tilespmem:v20+s2+$0x0], $0xffff  }
0x57: {  	v16 =	vand.u32 $0xFFFF0000, v13;
	v13 =	vshll.u32 v13, $0x10;
	v20 =	vor.u32 s18, v6;
	v10 =	vld.idx.msk [tilespmem:v10+s7+$0x0], $0xffff  }
0x58: {  	s18 =	sadd.s32 $0xFFFFFD80, s16;
	v14 =	vadd.f32 v16, v14;
	v7 =	vadd.f32 v13, v7;
	v13 =	vld.idx.msk [tilespmem:v18+s2+$0x0], $0xffff  }
0x59: {  	v16 =	vand.u32 $0xFFFF0000, v12;
	v12 =	vshll.u32 v12, $0x10;
	v18 =	vld.idx.msk [tilespmem:v19+s7+$0x0], $0xffff;
	v19 =	vor.u32 s18, v6  }
0x5a: {  	s18 =	sadd.s32 $0xFFFFFE00, s16;
	v14 =	vadd.f32 v16, v14;
	v7 =	vadd.f32 v12, v7;
	v17 =	vld.idx.msk [tilespmem:v17+s2+$0x0], $0xffff  }
0x5b: {  	v12 =	vand.u32 $0xFFFF0000, v9;
	v9 =	vshll.u32 v9, $0x10;
	v21 =	vor.u32 s18, v6;
	v16 =	vld.idx.msk [tilespmem:v8+s7+$0x0], $0xffff  }
0x5c: {  	s18 =	sadd.s32 $0xFFFFFE80, s16;
	v12 =	vadd.f32 v12, v14;
	v7 =	vadd.f32 v9, v7;
	v8 =	vld.idx.msk [tilespmem:v20+s2+$0x0], $0xffff  }
0x5d: {  	v9 =	vand.u32 $0xFFFF0000, v10;
	v10 =	vshll.u32 v10, $0x10;
	v20 =	vor.u32 s18, v6;
	v11 =	vld.idx.msk [tilespmem:v11+s7+$0x0], $0xffff  }
0x5e: {  	s18 =	sadd.s32 $0xFFFFFF00, s16;
	v12 =	vadd.f32 v9, v12;
	v7 =	vadd.f32 v10, v7;
	v9 =	vld.idx.msk [tilespmem:v19+s2+$0x0], $0xffff  }
0x5f: {  	v10 =	vand.u32 $0xFFFF0000, v18;
	v18 =	vshll.u32 v18, $0x10;
	v19 =	vor.u32 s18, v6;
	v14 =	vld.idx.msk [tilespmem:v15+s7+$0x0], $0xffff  }
.Ltmp0:
0x60: {  	s18 =	sadd.s32 $0xFFFFFF80, s16;
	v15 =	vadd.f32 v10, v12;
	v7 =	vadd.f32 v18, v7;
	v10 =	vld.idx.msk [tilespmem:v21+s2+$0x0], $0xffff;
	(pc) =	sbr.rel @p0 .LBB2_3-.Ltmp0, $4  }
0x61: {  	v18 =	vand.u32 $0xFFFF0000, v16;
	v21 =	vshll.u32 v16, $0x10;
	v16 =	vor.u32 s18, v6;
	v12 =	vld.idx.msk [tilespmem:v13+s7+$0x0], $0xffff  }
0x62: {  	v18 =	vadd.f32 v18, v15;
	v21 =	vadd.f32 v21, v7;
	v7 =	vld.idx.msk [tilespmem:v20+s2+$0x0], $0xffff  }
0x63: {  	v20 =	vand.u32 $0xFFFF0000, v11;
	v11 =	vshll.u32 v11, $0x10;
	v15 =	vor.u32 s16, v6;
	s16 =	sshll.u32 s17, $0x7;
	v13 =	vld.idx.msk [tilespmem:v17+s7+$0x0], $0xffff  }
0x64: {  	s17 =	sadd.s32 $0x14, s17;
	s18 =	sadd.s32 $0xFFFFF680, s16;
	v17 =	vadd.f32 v20, v18;
	v18 =	vadd.f32 v11, v21;
	v11 =	vld.idx.msk [tilespmem:v19+s2+$0x0], $0xffff  }
0x65: {  	_ =	sdelay $0x2  }
0x66: {  	v19 =	vand.u32 $0xFFFF0000, v14  }
0x67: {  	v28 =	vshll.u32 v14, $0x10;
	v8 =	vld.idx.msk [tilespmem:v8+s7+$0x0], $0xffff;
	v17 =	vadd.f32 v19, v17  }
0x68: {  	v20 =	vor.u32 s18, v6;
	v16 =	vld.idx.msk [tilespmem:v16+s2+$0x0], $0xffff;
	v14 =	vadd.f32 v28, v18;
	v29 =	vand.u32 $0xFFFF0000, v12  }
0x69: {  	s17 =	sadd.s32 $0xFFFFF700, s16;
	v9 =	vld.idx.msk [tilespmem:v9+s7+$0x0], $0xffff;
	v30 =	vshll.u32 v12, $0x10;
	v17 =	vadd.f32 v29, v17  }
0x6a: {  	s28 =	sadd.s32 $0xFFFFF780, s16;
	v32 =	vld.idx.msk [tilespmem:v15+s2+$0x0], $0xffff;
	v31 =	vor.u32 s17, v6;
	v12 =	vadd.f32 v30, v14;
	v33 =	vand.u32 $0xFFFF0000, v13  }
0x6b: {  	v10 =	vld.idx.msk [tilespmem:v10+s7+$0x0], $0xffff;
	v35 =	vor.u32 s28, v6;
	v34 =	vshll.u32 v13, $0x10;
	v15 =	vadd.f32 v33, v17  }
0x6c: {  	s29 =	sadd.s32 $0xFFFFF800, s16;
	v7 =	vld.idx.msk [tilespmem:v7+s7+$0x0], $0xffff;
	v12 =	vadd.f32 v34, v12;
	v37 =	vand.u32 $0xFFFF0000, v8  }
0x6d: {  	v38 =	vor.u32 s29, v6;
	v36 =	vld.idx.msk [tilespmem:v20+s2+$0x0], $0xffff;
	v8 =	vshll.u32 v8, $0x10;
	v15 =	vadd.f32 v37, v15  }
0x6e: {  	s30 =	sadd.s32 $0xFFFFF880, s16;
	v11 =	vld.idx.msk [tilespmem:v11+s7+$0x0], $0xffff;
	v40 =	vand.u32 $0xFFFF0000, v9;
	v8 =	vadd.f32 v8, v12  }
0x6f: {  	v41 =	vor.u32 s30, v6;
	v9 =	vshll.u32 v9, $0x10;
	v39 =	vld.idx.msk [tilespmem:v31+s2+$0x0], $0xffff;
	v15 =	vadd.f32 v40, v15  }
0x70: {  	s31 =	sadd.s32 $0xFFFFF900, s16;
	v43 =	vand.u32 $0xFFFF0000, v10;
	v42 =	vld.idx.msk [tilespmem:v35+s2+$0x0], $0xffff;
	v8 =	vadd.f32 v9, v8  }
0x71: {  	v44 =	vor.u32 s31, v6;
	v10 =	vshll.u32 v10, $0x10;
	v16 =	vld.idx.msk [tilespmem:v16+s7+$0x0], $0xffff;
	v15 =	vadd.f32 v43, v15  }
0x72: {  	s18 =	sadd.s32 $0xFFFFF980, s16;
	v45 =	vld.idx.msk [tilespmem:v38+s2+$0x0], $0xffff;
	v46 =	vand.u32 $0xFFFF0000, v7;
	v8 =	vadd.f32 v10, v8  }
0x73: {  	v47 =	vor.u32 s18, v6;
	v7 =	vshll.u32 v7, $0x10;
	v14 =	vld.idx.msk [tilespmem:v32+s7+$0x0], $0xffff;
	v15 =	vadd.f32 v46, v15  }
0x74: {  	s19 =	sadd.s32 $0xFFFFFA00, s16;
	v48 =	vld.idx.msk [tilespmem:v41+s2+$0x0], $0xffff;
	v49 =	vand.u32 $0xFFFF0000, v11;
	v7 =	vadd.f32 v7, v8  }
0x75: {  	v50 =	vor.u32 s19, v6;
	v11 =	vshll.u32 v11, $0x10;
	v13 =	vld.idx.msk [tilespmem:v36+s7+$0x0], $0xffff;
	v15 =	vadd.f32 v49, v15  }
0x76: {  	s20 =	sadd.s32 $0xFFFFFA80, s16;
	v51 =	vld.idx.msk [tilespmem:v44+s2+$0x0], $0xffff;
	v52 =	vand.u32 $0xFFFF0000, v16;
	v7 =	vadd.f32 v11, v7  }
0x77: {  	v53 =	vor.u32 s20, v6;
	v16 =	vshll.u32 v16, $0x10;
	v12 =	vld.idx.msk [tilespmem:v39+s7+$0x0], $0xffff;
	v15 =	vadd.f32 v52, v15  }
0x78: {  	s21 =	sadd.s32 $0xFFFFFB00, s16;
	v54 =	vld.idx.msk [tilespmem:v47+s2+$0x0], $0xffff;
	v55 =	vand.u32 $0xFFFF0000, v14;
	v7 =	vadd.f32 v16, v7  }
0x79: {  	v56 =	vor.u32 s21, v6;
	v14 =	vshll.u32 v14, $0x10;
	v9 =	vld.idx.msk [tilespmem:v42+s7+$0x0], $0xffff;
	v15 =	vadd.f32 v55, v15  }
0x7a: {  	s22 =	sadd.s32 $0xFFFFFB80, s16;
	v57 =	vld.idx.msk [tilespmem:v50+s2+$0x0], $0xffff;
	v58 =	vand.u32 $0xFFFF0000, v13;
	v7 =	vadd.f32 v14, v7  }
0x7b: {  	v59 =	vor.u32 s22, v6;
	v10 =	vld.idx.msk [tilespmem:v45+s7+$0x0], $0xffff;
	v13 =	vshll.u32 v13, $0x10;
	v15 =	vadd.f32 v58, v15  }
0x7c: {  	s23 =	sadd.s32 $0xFFFFFC00, s16;
	v60 =	vld.idx.msk [tilespmem:v53+s2+$0x0], $0xffff;
	v61 =	vand.u32 $0xFFFF0000, v12;
	v7 =	vadd.f32 v13, v7  }
0x7d: {  	v62 =	vor.u32 s23, v6;
	v8 =	vld.idx.msk [tilespmem:v48+s7+$0x0], $0xffff;
	v12 =	vshll.u32 v12, $0x10;
	v15 =	vadd.f32 v61, v15  }
0x7e: {  	s24 =	sadd.s32 $0xFFFFFC80, s16;
	v63 =	vld.idx.msk [tilespmem:v56+s2+$0x0], $0xffff;
	v24 =	vand.u32 $0xFFFF0000, v9;
	v7 =	vadd.f32 v12, v7  }
0x7f: {  	v25 =	vor.u32 s24, v6;
	v11 =	vld.idx.msk [tilespmem:v51+s7+$0x0], $0xffff;
	v9 =	vshll.u32 v9, $0x10;
	v15 =	vadd.f32 v24, v15  }
0x80: {  	s25 =	sadd.s32 $0xFFFFFD00, s16;
	v26 =	vld.idx.msk [tilespmem:v59+s2+$0x0], $0xffff;
	v27 =	vand.u32 $0xFFFF0000, v10;
	v7 =	vadd.f32 v9, v7  }
0x81: {  	v28 =	vor.u32 s25, v6;
	v16 =	vld.idx.msk [tilespmem:v54+s7+$0x0], $0xffff;
	v10 =	vshll.u32 v10, $0x10;
	v15 =	vadd.f32 v27, v15  }
0x82: {  	s26 =	sadd.s32 $0xFFFFFD80, s16;
	v29 =	vld.idx.msk [tilespmem:v62+s2+$0x0], $0xffff;
	v30 =	vand.u32 $0xFFFF0000, v8;
	v7 =	vadd.f32 v10, v7  }
0x83: {  	v31 =	vor.u32 s26, v6;
	v8 =	vshll.u32 v8, $0x10;
	v14 =	vld.idx.msk [tilespmem:v57+s7+$0x0], $0xffff;
	v15 =	vadd.f32 v30, v15  }
0x84: {  	s28 =	sadd.s32 $0xFFFFFE00, s16;
	v32 =	vld.idx.msk [tilespmem:v25+s2+$0x0], $0xffff;
	v33 =	vand.u32 $0xFFFF0000, v11;
	v7 =	vadd.f32 v8, v7  }
0x85: {  	v34 =	vor.u32 s28, v6;
	v11 =	vshll.u32 v11, $0x10;
	v13 =	vld.idx.msk [tilespmem:v60+s7+$0x0], $0xffff;
	v15 =	vadd.f32 v33, v15  }
0x86: {  	s29 =	sadd.s32 $0xFFFFFE80, s16;
	v35 =	vld.idx.msk [tilespmem:v28+s2+$0x0], $0xffff;
	v36 =	vand.u32 $0xFFFF0000, v16;
	v7 =	vadd.f32 v11, v7  }
0x87: {  	v37 =	vor.u32 s29, v6;
	v16 =	vshll.u32 v16, $0x10;
	v12 =	vld.idx.msk [tilespmem:v63+s7+$0x0], $0xffff;
	v15 =	vadd.f32 v36, v15  }
0x88: {  	s30 =	sadd.s32 $0xFFFFFF00, s16;
	v38 =	vld.idx.msk [tilespmem:v31+s2+$0x0], $0xffff;
	v39 =	vand.u32 $0xFFFF0000, v14;
	v7 =	vadd.f32 v16, v7  }
0x89: {  	v40 =	vor.u32 s30, v6;
	v14 =	vshll.u32 v14, $0x10;
	v9 =	vld.idx.msk [tilespmem:v26+s7+$0x0], $0xffff;
	v15 =	vadd.f32 v39, v15  }
0x8a: {  	s31 =	sadd.s32 $0xFFFFFF80, s16;
	v41 =	vld.idx.msk [tilespmem:v34+s2+$0x0], $0xffff;
	v42 =	vand.u32 $0xFFFF0000, v13;
	v7 =	vadd.f32 v14, v7  }
0x8b: {  	v43 =	vor.u32 s31, v6;
	v13 =	vshll.u32 v13, $0x10;
	v10 =	vld.idx.msk [tilespmem:v29+s7+$0x0], $0xffff;
	v15 =	vadd.f32 v42, v15  }
0x8c: {  	v44 =	vld.idx.msk [tilespmem:v37+s2+$0x0], $0xffff;
	v45 =	vand.u32 $0xFFFF0000, v12;
	v7 =	vadd.f32 v13, v7  }
0x8d: {  	v6 =	vor.u32 s16, v6;
	v12 =	vshll.u32 v12, $0x10;
	v8 =	vld.idx.msk [tilespmem:v32+s7+$0x0], $0xffff;
	v15 =	vadd.f32 v45, v15  }
0x8e: {  	v46 =	vld.idx.msk [tilespmem:v40+s2+$0x0], $0xffff;
	v47 =	vand.u32 $0xFFFF0000, v9;
	v7 =	vadd.f32 v12, v7  }
0x8f: {  	v9 =	vshll.u32 v9, $0x10;
	v11 =	vld.idx.msk [tilespmem:v35+s7+$0x0], $0xffff;
	v15 =	vadd.f32 v47, v15  }
0x90: {  	v48 =	vld.idx.msk [tilespmem:v43+s2+$0x0], $0xffff;
	v49 =	vand.u32 $0xFFFF0000, v10;
	v7 =	vadd.f32 v9, v7  }
0x91: {  	v10 =	vshll.u32 v10, $0x10;
	v16 =	vld.idx.msk [tilespmem:v38+s7+$0x0], $0xffff;
	v15 =	vadd.f32 v49, v15  }
0x92: {  	v6 =	vld.idx.msk [tilespmem:v6+s2+$0x0], $0xffff;
	v50 =	vand.u32 $0xFFFF0000, v8;
	v7 =	vadd.f32 v10, v7  }
0x93: {  	v8 =	vshll.u32 v8, $0x10;
	v14 =	vld.idx.msk [tilespmem:v41+s7+$0x0], $0xffff;
	v10 =	vadd.f32 v50, v15  }
0x94: {  	v51 =	vand.u32 $0xFFFF0000, v11;
	v7 =	vadd.f32 v8, v7  }
0x95: {  	v11 =	vshll.u32 v11, $0x10;
	v13 =	vld.idx.msk [tilespmem:v44+s7+$0x0], $0xffff;
	v8 =	vadd.f32 v51, v10  }
0x96: {  	v52 =	vand.u32 $0xFFFF0000, v16;
	v7 =	vadd.f32 v11, v7  }
0x97: {  	v53 =	vshll.u32 v16, $0x10;
	v12 =	vld.idx.msk [tilespmem:v46+s7+$0x0], $0xffff;
	v8 =	vadd.f32 v52, v8  }
0x98: {  	v54 =	vand.u32 $0xFFFF0000, v14;
	v7 =	vadd.f32 v53, v7  }
0x99: {  	v55 =	vshll.u32 v14, $0x10;
	v9 =	vld.idx.msk [tilespmem:v48+s7+$0x0], $0xffff;
	v8 =	vadd.f32 v54, v8  }
0x9a: {  	v56 =	vand.u32 $0xFFFF0000, v13;
	v7 =	vadd.f32 v55, v7  }
0x9b: {  	v6 =	vld.idx.msk [tilespmem:v6+s7+$0x0], $0xffff;
	v57 =	vshll.u32 v13, $0x10;
	v8 =	vadd.f32 v56, v8  }
0x9c: {  	v58 =	vand.u32 $0xFFFF0000, v12;
	v7 =	vadd.f32 v57, v7  }
0x9d: {  	v61 =	vand.u32 $0x78, v5;
	v59 =	vshll.u32 v12, $0x10;
	v8 =	vadd.f32 v58, v8  }
0x9e: {  	s15 =	sadd.s32 $0x1, s15;
	v5 =	vand.u32 v3, v5;
	v60 =	vand.u32 $0xFFFF0000, v9;
	v7 =	vadd.f32 v59, v7  }
0x9f: {  	p0 =	sne.s32 s15, $0x8;
	v62 =	vor.u32 v4, v61;
	v9 =	vshll.u32 v9, $0x10;
	v8 =	vadd.f32 v60, v8  }
.Ltmp1:
0xa0: {  	v63 =	vand.u32 $0xFFFF0000, v6;
	v7 =	vadd.f32 v9, v7;
	(pc) =	sbr.rel @p0 .LBB2_2-.Ltmp1, $4  }
0xa1: {  	v6 =	vshll.u32 v6, $0x10;
	v8 =	vadd.f32 v63, v8  }
0xa2: {  	v6 =	vadd.f32 v6, v7  }
0xa3: {  	[tilespmem:v5+s10+$0x0] =	vst.idx.msk $0xffff, v8  }
0xa4: {  	[tilespmem:v62+s10+$0x0] =	vst.idx.msk $0xffff, v6  }
0xa5: {  	s14 =	sadd.s32 $0x1, s14  }
0xa6: {  	p0 =	sne.s32 s14, s6  }
.Ltmp2:
0xa7: {  	_ = 	snop;
	(pc) =	sbr.rel @p0 .LBB2_1-.Ltmp2, $4  }
0xa8: {  	[hbm4b:s5+s11] =	stream.strided.scatter [tilespmem:s10], [sflag:$0x3], $0x100, s12, s11, $0x38;
	[tilespmem:$0x8D00] =	vst v63  }
0xa9: {  	_ =	swait.ge [sflag:s13], $0x100  }
0xaa: {  	[sflag:s13] =	ssyncset.done $0x0  }
0xab: {  	[sflag:s13] =	ssyncadd.s32 $0xFFFFFF00  }
0xac: {  	_ =	sfence.sel $0x180000  }
0xad: {  	[bflag:$0x0] =	sbarrier.arrive $0xFFFF  }
0xae: {  	p0 =	sne.s32 s0, $0x0;
	_ =	strace $0x90000047  }
0xaf: {  	s0 =	sadd.s32 @!p0 $0x100000, s1;
	[bflag:$0x2] =	sbarrier.arrive $0xFFFF  }
0xb0: {  	[sflag:s0] =	ssyncadd.tile.s32 @!p0 $0x1;
	_ =	shalt  }
.Lfunc_end2:
_tile_overlayer_lowered:
.L_overlay_start_2:
0xb1: {  	(tag) =	ssettag $0x2  }
0xb2: {  	s0 =	rddreg [dreg:$0x0];
	s2 =	stileid.u32  }
0xb3: {  	s1 =	rddreg [dreg:$0x1];
	p0 =	sne.s32 s2, $0x0  }
0xb4: {  	s3 =	rddreg [dreg:$0x2];
	[bflag:$0x3] =	sbarrier.arrive $0xFFFF;
	s2 =	simm.s32 @!p0 $0x1C03  }
0xb5: {  	[timem:s3], [sflag:s2] =	dma.local @!p0 [hbm:s0], s1  }
0xb6: {  	s0 =	simm.s32 @!p0 $0x3  }
0xb7: {  	_ =	swait.ge @!p0 [sflag:s0], s1  }
0xb8: {  	s1 =	ssub.s32 @!p0 $0x0, s1;
	[sflag:s0] =	ssyncset.done @!p0 $0x0  }
0xb9: {  	[sflag:s0] =	ssyncadd.s32 @!p0 s1  }
0xba: {  	[bflag:$0x3] =	sbarrier.arrive $0xFFFF  }
0xbb: {  	_ =	shalt  }

</sc_bundles>
